<compile_context>
chip_gen: v7x
topology: tpu7x:2x2x1
jax: 0.10.2.dev20260603
libtpu: 0.0.44.dev20260713+nightly
codegen_flags: <defaults>
</compile_context>

<pallas_src>
import functools

import jax
import jax.numpy as jnp
from jax import lax
from jax.experimental import pallas as pl
from jax.experimental.pallas import tpu as pltpu
from jax.experimental.pallas import tpu_sc as plsc

NC = 2
NT = 16
L = 16
CHUNK = 128
CW = 16
TRASH = 256
BLK = 1000
G = 256



def _embed_body(xu, xi, wu, bu, wi, bi, hu, hi):
    hu[...] = jnp.dot(xu[...], wu[...], preferred_element_type=jnp.float32) + bu[...]
    hi[...] = jnp.dot(xi[...], wi[...], preferred_element_type=jnp.float32) + bi[...]


def _embed(x_user, x_item, W_emb_u, b_emb_u, W_emb_i, b_emb_i):
    n, d = x_user.shape
    h = W_emb_u.shape[1]
    nblk = n // BLK
    row = lambda j: (j, 0)
    full = lambda j: (0, 0)
    return pl.pallas_call(
        _embed_body,
        grid=(nblk,),
        in_specs=[
            pl.BlockSpec((BLK, d), row),
            pl.BlockSpec((BLK, d), row),
            pl.BlockSpec((d, h), full),
            pl.BlockSpec((1, h), full),
            pl.BlockSpec((d, h), full),
            pl.BlockSpec((1, h), full),
        ],
        out_specs=[pl.BlockSpec((BLK, h), row)] * 2,
        out_shape=[jax.ShapeDtypeStruct((n, h), jnp.float32)] * 2,
        compiler_params=pltpu.CompilerParams(
            dimension_semantics=("arbitrary",)),
    )(x_user, x_item, W_emb_u, b_emb_u.reshape(1, h), W_emb_i,
      b_emb_i.reshape(1, h))



def _remap_body(half, dui, diu, out):
    res = []
    for d in (dui[...], diu[...]):
        for c in range(NC):
            lo = c * half
            inb = (d >= lo) & (d < lo + half)
            res.append(jnp.where(inb, d - lo, half + (d & (TRASH - 1))))
    out[...] = jnp.stack(res, axis=0)


def _remap_dst(dst_ui_flat, dst_iu_flat, half):
    epad = dst_ui_flat.shape[0]
    w = 512
    r = epad // w
    body = functools.partial(_remap_body, half)
    out = pl.pallas_call(
        body,
        in_specs=[pl.BlockSpec((r, w), lambda: (0, 0))] * 2,
        out_specs=pl.BlockSpec((2 * NC, r, w), lambda: (0, 0, 0)),
        out_shape=jax.ShapeDtypeStruct((2 * NC, r, w), jnp.int32),
    )(dst_ui_flat.reshape(r, w), dst_iu_flat.reshape(r, w))
    return out.reshape(2 * NC, epad)



def _sc_segment_sums(h_u, h_i, src_ui, dst_ui, src_iu, dst_iu, rows_pad):
    n, h = h_u.shape
    nchunk = src_ui.shape[0] // (NT * CHUNK)
    half = rows_pad // NC
    arows = half + TRASH
    zpt = arows // NT
    fpt = half // NT
    zacc = jnp.zeros((arows, h), jnp.float32)
    ones_h = jnp.ones((CHUNK, h), jnp.float32)

    mesh = plsc.VectorSubcoreMesh(core_axis_name="c", subcore_axis_name="s")

    @functools.partial(
        pl.kernel,
        mesh=mesh,
        out_type=[
            jax.ShapeDtypeStruct((rows_pad, h), jnp.float32),
            jax.ShapeDtypeStruct((rows_pad, h), jnp.float32),
            jax.ShapeDtypeStruct((rows_pad, h), jnp.float32),
            jax.ShapeDtypeStruct((rows_pad, h), jnp.float32),
        ],
        scratch_types=[
            pltpu.VMEM((CHUNK,), jnp.int32),
            pltpu.VMEM((CHUNK,), jnp.int32),
            pltpu.VMEM((CHUNK,), jnp.int32),
            pltpu.VMEM((CHUNK,), jnp.int32),
            pltpu.VMEM((CHUNK, h), jnp.float32),
            pltpu.VMEM((CHUNK, h), jnp.float32),
            pltpu.VMEM_SHARED((arows, h), jnp.float32),
            pltpu.SemaphoreType.DMA,
            pltpu.SemaphoreType.DMA,
            pltpu.SemaphoreType.DMA,
            pltpu.SemaphoreType.DMA,
        ],
    )
    def k(hu, hi, sui, dui, siu, diu, zacc_h, ones_hbm,
          sum_i, sum_u, cnt_i, cnt_u,
          sidx0, sidx1, didx0, didx1, rows0, rows1, acc,
          sem0, sem1, semd0, semd1):
        cid = lax.axis_index("c")
        sid = lax.axis_index("s")
        lo = cid * half
        zsl = pl.ds(sid * zpt, zpt)
        n2 = nchunk // 2

        def zero():
            pltpu.sync_copy(zacc_h.at[zsl], acc.at[zsl])

        def epilogue(out):
            plsc.subcore_barrier()
            fsl = pl.ds(sid * fpt, fpt)
            osl = pl.ds(lo + sid * fpt, fpt)
            pltpu.sync_copy(acc.at[fsl], out.at[osl])
            plsc.subcore_barrier()
            zero()
            plsc.subcore_barrier()

        def sum_phase(h_ref, src_ref, dst_ref, out):
            sbase = sid * (nchunk * CHUNK)
            dbase = (cid * NT + sid) * (nchunk * CHUNK)

            def sslice(j):
                return src_ref.at[pl.ds(sbase + j * CHUNK, CHUNK)]

            def dslice(j):
                return dst_ref.at[pl.ds(dbase + j * CHUNK, CHUNK)]

            pltpu.sync_copy(sslice(0), sidx0)
            pltpu.async_copy(h_ref.at[sidx0], rows0, sem0)

            def step(j2, carry):
                base = 2 * j2
                pltpu.sync_copy(sslice(base + 1), sidx1)
                pltpu.async_copy(h_ref.at[sidx1], rows1, sem1)
                pltpu.sync_copy(dslice(base), didx0)
                pltpu.make_async_copy(h_ref.at[sidx0], rows0, sem0).wait()
                pltpu.sync_copy(rows0, acc.at[didx0], add=True)
                nxt = jnp.where(base + 2 >= nchunk, 0, base + 2)
                pltpu.sync_copy(
                    src_ref.at[pl.ds(sbase + nxt * CHUNK, CHUNK)], sidx0)
                pltpu.async_copy(h_ref.at[sidx0], rows0, sem0)
                pltpu.sync_copy(dslice(base + 1), didx1)
                pltpu.make_async_copy(h_ref.at[sidx1], rows1, sem1).wait()
                pltpu.sync_copy(rows1, acc.at[didx1], add=True)
                return carry

            lax.fori_loop(0, n2, step, 0)
            pltpu.make_async_copy(h_ref.at[sidx0], rows0, sem0).wait()
            epilogue(out)

        def cnt_phase(dst_ref, out):
            dbase = (cid * NT + sid) * (nchunk * CHUNK)
            pltpu.sync_copy(ones_hbm, rows0)

            def dslice(j):
                return dst_ref.at[pl.ds(dbase + j * CHUNK, CHUNK)]

            pltpu.async_copy(dslice(0), didx0, semd0)

            def step(j2, carry):
                base = 2 * j2
                pltpu.async_copy(dslice(base + 1), didx1, semd1)
                pltpu.make_async_copy(dslice(base), didx0, semd0).wait()
                pltpu.sync_copy(rows0, acc.at[didx0], add=True)
                nxt = jnp.where(base + 2 >= nchunk, 0, base + 2)
                pltpu.async_copy(dslice(nxt), didx0, semd0)
                pltpu.make_async_copy(dslice(base + 1), didx1, semd1).wait()
                pltpu.sync_copy(rows0, acc.at[didx1], add=True)
                return carry

            lax.fori_loop(0, n2, step, 0)
            pltpu.make_async_copy(dslice(0), didx0, semd0).wait()
            epilogue(out)

        zero()
        plsc.subcore_barrier()
        sum_phase(hu, sui, dui, sum_i)
        cnt_phase(dui, cnt_i)
        sum_phase(hi, siu, diu, sum_u)
        cnt_phase(diu, cnt_u)

    return k(h_u, h_i, src_ui, dst_ui, src_iu, dst_iu, zacc, ones_h)



def _combine_body(si, ci, hi, bti, su, cu, hu, btu,
                  wl_ui, bl_ui, wr_ui, wl_iu, bl_iu, wr_iu, wo, bo,
                  out, pu_acc, pi_acc, ncu_acc, nci_acc):
    j = pl.program_id(0)
    nblk = pl.num_programs(0)

    @pl.when(j == 0)
    def _():
        pu_acc[...] = jnp.zeros_like(pu_acc)
        pi_acc[...] = jnp.zeros_like(pi_acc)
        ncu_acc[...] = jnp.zeros_like(ncu_acc)
        nci_acc[...] = jnp.zeros_like(nci_acc)

    f32 = jnp.float32
    dot = functools.partial(jnp.dot, preferred_element_type=f32)
    agg_i = si[...] / jnp.maximum(ci[...][:, 0:1], 1.0)
    out_i = dot(agg_i, wl_ui[...]) + bl_ui[...] + dot(hi[...], wr_ui[...])
    h_i2 = jnp.maximum(out_i, 0.0)
    agg_u = su[...] / jnp.maximum(cu[...][:, 0:1], 1.0)
    out_u = dot(agg_u, wl_iu[...]) + bl_iu[...] + dot(hu[...], wr_iu[...])
    h_u2 = jnp.maximum(out_u, 0.0)

    nrows = h_u2.shape[0]
    gids = lax.broadcasted_iota(jnp.int32, (nrows, G), 1)
    ct = (((0,), (0,)), ((), ()))
    oh_u = (btu[...] == gids).astype(f32)
    oh_i = (bti[...] == gids).astype(f32)
    ones_blk = jnp.ones((nrows, pu_acc.shape[1]), f32)
    pu_acc[...] += lax.dot_general(oh_u, h_u2, ct, preferred_element_type=f32)
    pi_acc[...] += lax.dot_general(oh_i, h_i2, ct, preferred_element_type=f32)
    ncu_acc[...] += lax.dot_general(oh_u, ones_blk, ct, preferred_element_type=f32)
    nci_acc[...] += lax.dot_general(oh_i, ones_blk, ct, preferred_element_type=f32)

    @pl.when(j == nblk - 1)
    def _():
        p_u = pu_acc[...] / jnp.maximum(ncu_acc[...], 1.0)
        p_i = pi_acc[...] / jnp.maximum(nci_acc[...], 1.0)
        x = 0.5 * (p_u + p_i)
        out[...] = dot(x, wo[...]) + bo[...]


def _combine(sum_i, cnt_i, h_i, batch_i, sum_u, cnt_u, h_u, batch_u,
             Wl_ui, bl_ui, Wr_ui, Wl_iu, bl_iu, Wr_iu, W_out, b_out):
    n, h = h_u.shape
    o = W_out.shape[1]
    nblk = n // BLK
    row = lambda j: (j, 0)
    full = lambda j: (0, 0)
    return pl.pallas_call(
        _combine_body,
        grid=(nblk,),
        in_specs=[
            pl.BlockSpec((BLK, h), row),
            pl.BlockSpec((BLK, h), row),
            pl.BlockSpec((BLK, h), row),
            pl.BlockSpec((BLK, 1), row),
            pl.BlockSpec((BLK, h), row),
            pl.BlockSpec((BLK, h), row),
            pl.BlockSpec((BLK, h), row),
            pl.BlockSpec((BLK, 1), row),
            pl.BlockSpec((h, h), full),
            pl.BlockSpec((1, h), full),
            pl.BlockSpec((h, h), full),
            pl.BlockSpec((h, h), full),
            pl.BlockSpec((1, h), full),
            pl.BlockSpec((h, h), full),
            pl.BlockSpec((h, o), full),
            pl.BlockSpec((1, o), full),
        ],
        out_specs=pl.BlockSpec((G, o), full),
        out_shape=jax.ShapeDtypeStruct((G, o), jnp.float32),
        scratch_shapes=[
            pltpu.VMEM((G, h), jnp.float32),
            pltpu.VMEM((G, h), jnp.float32),
            pltpu.VMEM((G, h), jnp.float32),
            pltpu.VMEM((G, h), jnp.float32),
        ],
        compiler_params=pltpu.CompilerParams(
            dimension_semantics=("arbitrary",)),
    )(sum_i, cnt_i, h_i, batch_i, sum_u, cnt_u, h_u, batch_u,
      Wl_ui, bl_ui.reshape(1, h), Wr_ui, Wl_iu, bl_iu.reshape(1, h), Wr_iu,
      W_out, b_out.reshape(1, o))



def kernel(x_user, x_item, edge_index_ui, edge_index_iu, edge_attr_ui,
           edge_attr_iu, batch_user, batch_item, W_emb_u, b_emb_u, W_emb_i,
           b_emb_i, Wl_ui, bl_ui, Wr_ui, Wl_iu, bl_iu, Wr_iu, W_out, b_out):
    n = x_user.shape[0]
    e = edge_index_ui.shape[1]
    rows_pad = -(-(n + 1) // (NC * NT * 16)) * (NC * NT * 16)
    nchunk = -(-e // (NT * CHUNK))
    nchunk = -(-nchunk // 8) * 8
    ept = nchunk * CHUNK
    epad = ept * NT

    src_ui = jnp.pad(edge_index_ui[0], (0, epad - e))
    src_iu = jnp.pad(edge_index_iu[0], (0, epad - e))
    dui_flat = jnp.pad(edge_index_ui[1], (0, epad - e), constant_values=n)
    diu_flat = jnp.pad(edge_index_iu[1], (0, epad - e), constant_values=n)
    dmap = _remap_dst(dui_flat, diu_flat, rows_pad // NC)
    dst_ui = dmap[:NC].reshape(NC * epad)
    dst_iu = dmap[NC:].reshape(NC * epad)

    h_u, h_i = _embed(x_user, x_item, W_emb_u, b_emb_u, W_emb_i, b_emb_i)
    sum_i, sum_u, cnt_i, cnt_u = _sc_segment_sums(
        h_u, h_i, src_ui, dst_ui, src_iu, dst_iu, rows_pad)
    return _combine(sum_i, cnt_i, h_i, batch_item.reshape(n, 1),
                    sum_u, cnt_u, h_u, batch_user.reshape(n, 1),
                    Wl_ui, bl_ui, Wr_ui, Wl_iu, bl_iu, Wr_iu, W_out, b_out)

# --- scband reference (transcript-rebuilt; emitter-appended) ---
"""Pipeline reference for scband-hgnn-kpi2d-14422500180474 (READ-ONLY COPY).

The authoritative reference and input builder live on the scoring server;
editing this copy changes nothing except your own understanding.
"""

import jax, jax.numpy as jnp
import numpy as np


def _segment_mean(data, seg, num):
    s = jax.ops.segment_sum(data, seg, num_segments=num)
    c = jax.ops.segment_sum(jnp.ones((data.shape[0], 1), data.dtype), seg, num_segments=num)
    return s / jnp.clip(c, 1.0, None)


def setup_inputs(seed: int = 0):
    key = jax.random.key(seed)
    ks = jax.random.split(key, 24)
    N, E, D, H, O, G = 10000, 320000, 128, 128, 128, 256
    s = 0.02
    inp = {}
    inp['x_user'] = jax.random.normal(ks[0], (N, D), jnp.float32)
    inp['x_item'] = jax.random.normal(ks[1], (N, D), jnp.float32)
    inp['edge_index_ui'] = jax.random.randint(ks[2], (2, E), 0, N, dtype=jnp.int32)
    inp['edge_index_iu'] = jax.random.randint(ks[3], (2, E), 0, N, dtype=jnp.int32)
    inp['edge_attr_ui'] = jax.random.normal(ks[4], (E, 4), jnp.float32)
    inp['edge_attr_iu'] = jax.random.normal(ks[5], (E, 4), jnp.float32)
    inp['batch_user'] = jnp.sort(jax.random.randint(ks[6], (N,), 0, G, dtype=jnp.int32))
    inp['batch_item'] = jnp.sort(jax.random.randint(ks[7], (N,), 0, G, dtype=jnp.int32))
    # node-type embedding Linears
    inp['W_emb_u'] = jax.random.normal(ks[8], (D, H), jnp.float32) * s
    inp['b_emb_u'] = jnp.zeros((H,), jnp.float32)
    inp['W_emb_i'] = jax.random.normal(ks[9], (D, H), jnp.float32) * s
    inp['b_emb_i'] = jnp.zeros((H,), jnp.float32)
    # SAGEConv per edge type: lin_l (on aggregated neighbors, with bias), lin_r (on root, no bias)
    inp['Wl_ui'] = jax.random.normal(ks[10], (H, H), jnp.float32) * s
    inp['bl_ui'] = jnp.zeros((H,), jnp.float32)
    inp['Wr_ui'] = jax.random.normal(ks[11], (H, H), jnp.float32) * s
    inp['Wl_iu'] = jax.random.normal(ks[12], (H, H), jnp.float32) * s
    inp['bl_iu'] = jnp.zeros((H,), jnp.float32)
    inp['Wr_iu'] = jax.random.normal(ks[13], (H, H), jnp.float32) * s
    # output Linear
    inp['W_out'] = jax.random.normal(ks[14], (H, O), jnp.float32) * s
    inp['b_out'] = jnp.zeros((O,), jnp.float32)
    return inp


def reference(x_user, x_item, edge_index_ui, edge_index_iu, edge_attr_ui, edge_attr_iu,
              batch_user, batch_item, W_emb_u, b_emb_u, W_emb_i, b_emb_i,
              Wl_ui, bl_ui, Wr_ui, Wl_iu, bl_iu, Wr_iu, W_out, b_out):
    G = 256
    # per-node-type input embedding Linear
    h_u = x_user @ W_emb_u + b_emb_u
    h_i = x_item @ W_emb_i + b_emb_i
    N_u = h_u.shape[0]
    N_i = h_i.shape[0]
    # HeteroConv of SAGEConv(aggr='mean') per edge type (edge_attr unused, as in torch forward)
    # (user -> item)
    src_ui = edge_index_ui[0]
    dst_ui = edge_index_ui[1]
    agg_i = _segment_mean(jnp.take(h_u, src_ui, axis=0), dst_ui, N_i)
    out_i = agg_i @ Wl_ui + bl_ui + h_i @ Wr_ui
    # (item -> user)
    src_iu = edge_index_iu[0]
    dst_iu = edge_index_iu[1]
    agg_u = _segment_mean(jnp.take(h_i, src_iu, axis=0), dst_iu, N_u)
    out_u = agg_u @ Wl_iu + bl_iu + h_u @ Wr_iu
    h_u2 = jax.nn.relu(out_u)
    h_i2 = jax.nn.relu(out_i)
    # global_mean_pool per node type, then mean over node types
    p_u = _segment_mean(h_u2, batch_user, G)
    p_i = _segment_mean(h_i2, batch_item, G)
    x = jnp.mean(jnp.stack([p_u, p_i], axis=0), axis=0)
    out = x @ W_out + b_out
    return out

if __name__ == "__main__":
    import jax
    _d = setup_inputs()
    print(jax.jit(kernel)(*tuple(_d.values())))

</pallas_src>

<mosaic_0001>
#map = affine_map<(d0, d1) -> (0, 0)>
#map1 = affine_map<(d0, d1) -> (0)>
module attributes {stable_mosaic.version = 14 : i64} {
  func.func @k(%arg0: i32, %arg1: i32, %arg2: memref<10000x128xf32, #tpu.memory_space<hbm>>, %arg3: memref<10000x128xf32, #tpu.memory_space<hbm>>, %arg4: memref<327680xi32, #tpu.memory_space<hbm>>, %arg5: memref<655360xi32, #tpu.memory_space<hbm>>, %arg6: memref<327680xi32, #tpu.memory_space<hbm>>, %arg7: memref<655360xi32, #tpu.memory_space<hbm>>, %arg8: memref<5376x128xf32, #tpu.memory_space<hbm>>, %arg9: memref<128x128xf32, #tpu.memory_space<hbm>>, %arg10: memref<10240x128xf32, #tpu.memory_space<hbm>>, %arg11: memref<10240x128xf32, #tpu.memory_space<hbm>>, %arg12: memref<10240x128xf32, #tpu.memory_space<hbm>>, %arg13: memref<10240x128xf32, #tpu.memory_space<hbm>>, %arg14: memref<128xi32, #tpu.memory_space<vmem>>, %arg15: memref<128xi32, #tpu.memory_space<vmem>>, %arg16: memref<128xi32, #tpu.memory_space<vmem>>, %arg17: memref<128xi32, #tpu.memory_space<vmem>>, %arg18: memref<128x128xf32, #tpu.memory_space<vmem>>, %arg19: memref<128x128xf32, #tpu.memory_space<vmem>>, %arg20: memref<5376x128xf32, #tpu.memory_space<vmem_shared>>, %arg21: memref<!tpu.dma_semaphore, #tpu.memory_space<semaphore_mem>>, %arg22: memref<!tpu.dma_semaphore, #tpu.memory_space<semaphore_mem>>, %arg23: memref<!tpu.dma_semaphore, #tpu.memory_space<semaphore_mem>>, %arg24: memref<!tpu.dma_semaphore, #tpu.memory_space<semaphore_mem>>) attributes {dimension_semantics = [#tpu.dimension_semantics<core_parallel>, #tpu.dimension_semantics<subcore_parallel>], iteration_bounds = array<i64: 2, 16>, scalar_prefetch = 0 : i64, scratch_operands = 11 : i64, tpu.core_type = #tpu.core_type<sc_vector_subcore>, window_params = [{transform_indices = #map}, {transform_indices = #map}, {transform_indices = #map1}, {transform_indices = #map1}, {transform_indices = #map1}, {transform_indices = #map1}, {transform_indices = #map}, {transform_indices = #map}, {transform_indices = #map}, {transform_indices = #map}, {transform_indices = #map}, {transform_indices = #map}]} {
    %mul3A = arith.constant 5120 : i32
    %mul3A_0 = arith.muli %arg0, %mul3A : i32
    %mul3A_1 = arith.constant 336 : i32
    %mul3A_2 = arith.muli %arg1, %mul3A_1 : i32
    "tpu.region"() ({
      %run_scoped3A = tpu.sem_alloc : memref<!tpu.dma_semaphore, #tpu.memory_space<semaphore_mem>>
      %dma_start3A_111 = arith.constant 0 : i32
      %dma_start3A_112 = tpu.memref_slice %arg20[%mul3A_2, %dma_start3A_111] : memref<5376x128xf32, #tpu.memory_space<vmem_shared>> -> memref<336x128xf32, #tpu.memory_space<vmem_shared>>
      %dma_start3A_113 = arith.constant 0 : i32
      %dma_start3A_114 = tpu.memref_slice %arg8[%mul3A_2, %dma_start3A_113] : memref<5376x128xf32, #tpu.memory_space<hbm>> -> memref<336x128xf32, #tpu.memory_space<hbm>>
      tpu.enqueue_dma source(%dma_start3A_114 : memref<336x128xf32, #tpu.memory_space<hbm>>) target(%dma_start3A_112 : memref<336x128xf32, #tpu.memory_space<vmem_shared>>) target_semaphore(%run_scoped3A : memref<!tpu.dma_semaphore, #tpu.memory_space<semaphore_mem>>)
      %dma_wait3A_115 = arith.constant 0 : i32
      %dma_wait3A_116 = tpu.memref_slice %arg20[%mul3A_2, %dma_wait3A_115] : memref<5376x128xf32, #tpu.memory_space<vmem_shared>> -> memref<336x128xf32, #tpu.memory_space<vmem_shared>>
      %dma_wait3A_117 = arith.constant 0 : i32
      %dma_wait3A_118 = tpu.memref_slice %arg8[%mul3A_2, %dma_wait3A_117] : memref<5376x128xf32, #tpu.memory_space<hbm>> -> memref<336x128xf32, #tpu.memory_space<hbm>>
      tpu.wait_dma2 semaphore(%run_scoped3A : memref<!tpu.dma_semaphore, #tpu.memory_space<semaphore_mem>>) src(%dma_wait3A_118 : memref<336x128xf32, #tpu.memory_space<hbm>>) dst(%dma_wait3A_116 : memref<336x128xf32, #tpu.memory_space<vmem_shared>>)
      tpu.yield
    }) : () -> ()
    %barrier3A = arith.constant 0 : index
    tpu.barrier barrier_id(%barrier3A)
    %mul3A_3 = arith.constant 20480 : i32
    %mul3A_4 = arith.muli %arg1, %mul3A_3 : i32
    %mul3A_5 = arith.constant 16 : i32
    %mul3A_6 = arith.muli %arg0, %mul3A_5 : i32
    %add3A = arith.addi %mul3A_6, %arg1 : i32
    %mul3A_7 = arith.constant 20480 : i32
    %mul3A_8 = arith.muli %add3A, %mul3A_7 : i32
    %add3A_9 = arith.constant 0 : i32
    %add3A_10 = arith.addi %mul3A_4, %add3A_9 : i32
    "tpu.region"() ({
      %run_scoped3A = tpu.sem_alloc : memref<!tpu.dma_semaphore, #tpu.memory_space<semaphore_mem>>
      %dma_start3A_111 = tpu.memref_slice %arg4[%add3A_10] : memref<327680xi32, #tpu.memory_space<hbm>> -> memref<128xi32, #tpu.memory_space<hbm>>
      %dma_start3A_112 = tpu.memref_slice %arg4[%add3A_10] : memref<327680xi32, #tpu.memory_space<hbm>> -> memref<128xi32, #tpu.memory_space<hbm>>
      tpu.enqueue_dma source(%dma_start3A_112 : memref<128xi32, #tpu.memory_space<hbm>>) target(%arg14 : memref<128xi32, #tpu.memory_space<vmem>>) target_semaphore(%run_scoped3A : memref<!tpu.dma_semaphore, #tpu.memory_space<semaphore_mem>>)
      %dma_wait3A_113 = tpu.memref_slice %arg4[%add3A_10] : memref<327680xi32, #tpu.memory_space<hbm>> -> memref<128xi32, #tpu.memory_space<hbm>>
      %dma_wait3A_114 = tpu.memref_slice %arg4[%add3A_10] : memref<327680xi32, #tpu.memory_space<hbm>> -> memref<128xi32, #tpu.memory_space<hbm>>
      tpu.wait_dma2 semaphore(%run_scoped3A : memref<!tpu.dma_semaphore, #tpu.memory_space<semaphore_mem>>) src(%dma_wait3A_114 : memref<128xi32, #tpu.memory_space<hbm>>) dst(%arg14 : memref<128xi32, #tpu.memory_space<vmem>>)
      tpu.yield
    }) : () -> ()
    %dma_start3A = arith.constant 0 : i32
    %dma_start3A_11 = arith.constant 0 : i32
    %dma_start3A_12 = tpu.memref_slice %arg2[%dma_start3A, %dma_start3A_11] : memref<10000x128xf32, #tpu.memory_space<hbm>> -> memref<10000x128xf32, #tpu.memory_space<hbm>>
    tpu.enqueue_indirect_dma source(%dma_start3A_12 : memref<10000x128xf32, #tpu.memory_space<hbm>>) target(%arg18 : memref<128x128xf32, #tpu.memory_space<vmem>>) offsets(%arg14 : memref<128xi32, #tpu.memory_space<vmem>>) semaphore(%arg21 : memref<!tpu.dma_semaphore, #tpu.memory_space<semaphore_mem>>)
    %scan3A = arith.constant 0 : i32
    %scan3A_13 = arith.constant 0 : i32
    %scan3A_14 = arith.constant 80 : i32
    %scan3A_15 = arith.addi %scan3A_13, %scan3A_14 : i32
    %scan3A_16 = arith.constant 1 : i32
    scf.for %scan3A_111 = %scan3A_13 to %scan3A_15 step %scan3A_16  : i32 {
      %mul3A_112 = arith.constant 2 : i32
      %mul3A_113 = arith.muli %mul3A_112, %scan3A_111 : i32
      %add3A_114 = arith.constant 1 : i32
      %add3A_115 = arith.addi %mul3A_113, %add3A_114 : i32
      %mul3A_116 = arith.constant 128 : i32
      %mul3A_117 = arith.muli %add3A_115, %mul3A_116 : i32
      %add3A_118 = arith.addi %mul3A_4, %mul3A_117 : i32
      "tpu.region"() ({
        %run_scoped3A = tpu.sem_alloc : memref<!tpu.dma_semaphore, #tpu.memory_space<semaphore_mem>>
        %dma_start3A_147 = tpu.memref_slice %arg4[%add3A_118] : memref<327680xi32, #tpu.memory_space<hbm>> -> memref<128xi32, #tpu.memory_space<hbm>>
        %dma_start3A_148 = tpu.memref_slice %arg4[%add3A_118] : memref<327680xi32, #tpu.memory_space<hbm>> -> memref<128xi32, #tpu.memory_space<hbm>>
        tpu.enqueue_dma source(%dma_start3A_148 : memref<128xi32, #tpu.memory_space<hbm>>) target(%arg15 : memref<128xi32, #tpu.memory_space<vmem>>) target_semaphore(%run_scoped3A : memref<!tpu.dma_semaphore, #tpu.memory_space<semaphore_mem>>)
        %dma_wait3A_149 = tpu.memref_slice %arg4[%add3A_118] : memref<327680xi32, #tpu.memory_space<hbm>> -> memref<128xi32, #tpu.memory_space<hbm>>
        %dma_wait3A_150 = tpu.memref_slice %arg4[%add3A_118] : memref<327680xi32, #tpu.memory_space<hbm>> -> memref<128xi32, #tpu.memory_space<hbm>>
        tpu.wait_dma2 semaphore(%run_scoped3A : memref<!tpu.dma_semaphore, #tpu.memory_space<semaphore_mem>>) src(%dma_wait3A_150 : memref<128xi32, #tpu.memory_space<hbm>>) dst(%arg15 : memref<128xi32, #tpu.memory_space<vmem>>)
        tpu.yield
      }) : () -> ()
      %dma_start3A_119 = arith.constant 0 : i32
      %dma_start3A_120 = arith.constant 0 : i32
      %dma_start3A_121 = tpu.memref_slice %arg2[%dma_start3A_119, %dma_start3A_120] : memref<10000x128xf32, #tpu.memory_space<hbm>> -> memref<10000x128xf32, #tpu.memory_space<hbm>>
      tpu.enqueue_indirect_dma source(%dma_start3A_121 : memref<10000x128xf32, #tpu.memory_space<hbm>>) target(%arg19 : memref<128x128xf32, #tpu.memory_space<vmem>>) offsets(%arg15 : memref<128xi32, #tpu.memory_space<vmem>>) semaphore(%arg22 : memref<!tpu.dma_semaphore, #tpu.memory_space<semaphore_mem>>)
      %mul3A_122 = arith.constant 128 : i32
      %mul3A_123 = arith.muli %mul3A_113, %mul3A_122 : i32
      %add3A_124 = arith.addi %mul3A_8, %mul3A_123 : i32
      "tpu.region"() ({
        %run_scoped3A = tpu.sem_alloc : memref<!tpu.dma_semaphore, #tpu.memory_space<semaphore_mem>>
        %dma_start3A_147 = tpu.memref_slice %arg5[%add3A_124] : memref<655360xi32, #tpu.memory_space<hbm>> -> memref<128xi32, #tpu.memory_space<hbm>>
        %dma_start3A_148 = tpu.memref_slice %arg5[%add3A_124] : memref<655360xi32, #tpu.memory_space<hbm>> -> memref<128xi32, #tpu.memory_space<hbm>>
        tpu.enqueue_dma source(%dma_start3A_148 : memref<128xi32, #tpu.memory_space<hbm>>) target(%arg16 : memref<128xi32, #tpu.memory_space<vmem>>) target_semaphore(%run_scoped3A : memref<!tpu.dma_semaphore, #tpu.memory_space<semaphore_mem>>)
        %dma_wait3A_149 = tpu.memref_slice %arg5[%add3A_124] : memref<655360xi32, #tpu.memory_space<hbm>> -> memref<128xi32, #tpu.memory_space<hbm>>
        %dma_wait3A_150 = tpu.memref_slice %arg5[%add3A_124] : memref<655360xi32, #tpu.memory_space<hbm>> -> memref<128xi32, #tpu.memory_space<hbm>>
        tpu.wait_dma2 semaphore(%run_scoped3A : memref<!tpu.dma_semaphore, #tpu.memory_space<semaphore_mem>>) src(%dma_wait3A_150 : memref<128xi32, #tpu.memory_space<hbm>>) dst(%arg16 : memref<128xi32, #tpu.memory_space<vmem>>)
        tpu.yield
      }) : () -> ()
      %dma_wait3A_125 = arith.constant 0 : i32
      %dma_wait3A_126 = arith.constant 0 : i32
      %dma_wait3A_127 = tpu.memref_slice %arg2[%dma_wait3A_125, %dma_wait3A_126] : memref<10000x128xf32, #tpu.memory_space<hbm>> -> memref<10000x128xf32, #tpu.memory_space<hbm>>
      tpu.wait_indirect_dma semaphore(%arg21 : memref<!tpu.dma_semaphore, #tpu.memory_space<semaphore_mem>>) src(%dma_wait3A_127 : memref<10000x128xf32, #tpu.memory_space<hbm>>) dst(%arg18 : memref<128x128xf32, #tpu.memory_space<vmem>>)
      "tpu.region"() ({
        %run_scoped3A = tpu.sem_alloc : memref<!tpu.dma_semaphore, #tpu.memory_space<semaphore_mem>>
        %dma_start3A_147 = arith.constant 0 : i32
        %dma_start3A_148 = arith.constant 0 : i32
        %dma_start3A_149 = tpu.memref_slice %arg20[%dma_start3A_147, %dma_start3A_148] : memref<5376x128xf32, #tpu.memory_space<vmem_shared>> -> memref<5376x128xf32, #tpu.memory_space<vmem_shared>>
        tpu.enqueue_indirect_dma source(%arg18 : memref<128x128xf32, #tpu.memory_space<vmem>>) target(%dma_start3A_149 : memref<5376x128xf32, #tpu.memory_space<vmem_shared>>) offsets(%arg16 : memref<128xi32, #tpu.memory_space<vmem>>) semaphore(%run_scoped3A : memref<!tpu.dma_semaphore, #tpu.memory_space<semaphore_mem>>) {add = true}
        %dma_wait3A_150 = arith.constant 0 : i32
        %dma_wait3A_151 = arith.constant 0 : i32
        %dma_wait3A_152 = tpu.memref_slice %arg20[%dma_wait3A_150, %dma_wait3A_151] : memref<5376x128xf32, #tpu.memory_space<vmem_shared>> -> memref<5376x128xf32, #tpu.memory_space<vmem_shared>>
        tpu.wait_indirect_dma semaphore(%run_scoped3A : memref<!tpu.dma_semaphore, #tpu.memory_space<semaphore_mem>>) src(%arg18 : memref<128x128xf32, #tpu.memory_space<vmem>>) dst(%dma_wait3A_152 : memref<5376x128xf32, #tpu.memory_space<vmem_shared>>)
        tpu.yield
      }) : () -> ()
      %add3A_128 = arith.constant 2 : i32
      %add3A_129 = arith.addi %mul3A_113, %add3A_128 : i32
      %ge3A = arith.constant 160 : i32
      %ge3A_130 = arith.cmpi sge, %add3A_129, %ge3A : i32
      %add3A_131 = arith.constant 2 : i32
      %add3A_132 = arith.addi %mul3A_113, %add3A_131 : i32
      %jit3A = arith.constant 0 : i32
      %select_n3A = arith.select %ge3A_130, %jit3A, %add3A_132 : i32
      %mul3A_133 = arith.constant 128 : i32
      %mul3A_134 = arith.muli %select_n3A, %mul3A_133 : i32
      %add3A_135 = arith.addi %mul3A_4, %mul3A_134 : i32
      "tpu.region"() ({
        %run_scoped3A = tpu.sem_alloc : memref<!tpu.dma_semaphore, #tpu.memory_space<semaphore_mem>>
        %dma_start3A_147 = tpu.memref_slice %arg4[%add3A_135] : memref<327680xi32, #tpu.memory_space<hbm>> -> memref<128xi32, #tpu.memory_space<hbm>>
        %dma_start3A_148 = tpu.memref_slice %arg4[%add3A_135] : memref<327680xi32, #tpu.memory_space<hbm>> -> memref<128xi32, #tpu.memory_space<hbm>>
        tpu.enqueue_dma source(%dma_start3A_148 : memref<128xi32, #tpu.memory_space<hbm>>) target(%arg14 : memref<128xi32, #tpu.memory_space<vmem>>) target_semaphore(%run_scoped3A : memref<!tpu.dma_semaphore, #tpu.memory_space<semaphore_mem>>)
        %dma_wait3A_149 = tpu.memref_slice %arg4[%add3A_135] : memref<327680xi32, #tpu.memory_space<hbm>> -> memref<128xi32, #tpu.memory_space<hbm>>
        %dma_wait3A_150 = tpu.memref_slice %arg4[%add3A_135] : memref<327680xi32, #tpu.memory_space<hbm>> -> memref<128xi32, #tpu.memory_space<hbm>>
        tpu.wait_dma2 semaphore(%run_scoped3A : memref<!tpu.dma_semaphore, #tpu.memory_space<semaphore_mem>>) src(%dma_wait3A_150 : memref<128xi32, #tpu.memory_space<hbm>>) dst(%arg14 : memref<128xi32, #tpu.memory_space<vmem>>)
        tpu.yield
      }) : () -> ()
      %dma_start3A_136 = arith.constant 0 : i32
      %dma_start3A_137 = arith.constant 0 : i32
      %dma_start3A_138 = tpu.memref_slice %arg2[%dma_start3A_136, %dma_start3A_137] : memref<10000x128xf32, #tpu.memory_space<hbm>> -> memref<10000x128xf32, #tpu.memory_space<hbm>>
      tpu.enqueue_indirect_dma source(%dma_start3A_138 : memref<10000x128xf32, #tpu.memory_space<hbm>>) target(%arg18 : memref<128x128xf32, #tpu.memory_space<vmem>>) offsets(%arg14 : memref<128xi32, #tpu.memory_space<vmem>>) semaphore(%arg21 : memref<!tpu.dma_semaphore, #tpu.memory_space<semaphore_mem>>)
      %add3A_139 = arith.constant 1 : i32
      %add3A_140 = arith.addi %mul3A_113, %add3A_139 : i32
      %mul3A_141 = arith.constant 128 : i32
      %mul3A_142 = arith.muli %add3A_140, %mul3A_141 : i32
      %add3A_143 = arith.addi %mul3A_8, %mul3A_142 : i32
      "tpu.region"() ({
        %run_scoped3A = tpu.sem_alloc : memref<!tpu.dma_semaphore, #tpu.memory_space<semaphore_mem>>
        %dma_start3A_147 = tpu.memref_slice %arg5[%add3A_143] : memref<655360xi32, #tpu.memory_space<hbm>> -> memref<128xi32, #tpu.memory_space<hbm>>
        %dma_start3A_148 = tpu.memref_slice %arg5[%add3A_143] : memref<655360xi32, #tpu.memory_space<hbm>> -> memref<128xi32, #tpu.memory_space<hbm>>
        tpu.enqueue_dma source(%dma_start3A_148 : memref<128xi32, #tpu.memory_space<hbm>>) target(%arg17 : memref<128xi32, #tpu.memory_space<vmem>>) target_semaphore(%run_scoped3A : memref<!tpu.dma_semaphore, #tpu.memory_space<semaphore_mem>>)
        %dma_wait3A_149 = tpu.memref_slice %arg5[%add3A_143] : memref<655360xi32, #tpu.memory_space<hbm>> -> memref<128xi32, #tpu.memory_space<hbm>>
        %dma_wait3A_150 = tpu.memref_slice %arg5[%add3A_143] : memref<655360xi32, #tpu.memory_space<hbm>> -> memref<128xi32, #tpu.memory_space<hbm>>
        tpu.wait_dma2 semaphore(%run_scoped3A : memref<!tpu.dma_semaphore, #tpu.memory_space<semaphore_mem>>) src(%dma_wait3A_150 : memref<128xi32, #tpu.memory_space<hbm>>) dst(%arg17 : memref<128xi32, #tpu.memory_space<vmem>>)
        tpu.yield
      }) : () -> ()
      %dma_wait3A_144 = arith.constant 0 : i32
      %dma_wait3A_145 = arith.constant 0 : i32
      %dma_wait3A_146 = tpu.memref_slice %arg2[%dma_wait3A_144, %dma_wait3A_145] : memref<10000x128xf32, #tpu.memory_space<hbm>> -> memref<10000x128xf32, #tpu.memory_space<hbm>>
      tpu.wait_indirect_dma semaphore(%arg22 : memref<!tpu.dma_semaphore, #tpu.memory_space<semaphore_mem>>) src(%dma_wait3A_146 : memref<10000x128xf32, #tpu.memory_space<hbm>>) dst(%arg19 : memref<128x128xf32, #tpu.memory_space<vmem>>)
      "tpu.region"() ({
        %run_scoped3A = tpu.sem_alloc : memref<!tpu.dma_semaphore, #tpu.memory_space<semaphore_mem>>
        %dma_start3A_147 = arith.constant 0 : i32
        %dma_start3A_148 = arith.constant 0 : i32
        %dma_start3A_149 = tpu.memref_slice %arg20[%dma_start3A_147, %dma_start3A_148] : memref<5376x128xf32, #tpu.memory_space<vmem_shared>> -> memref<5376x128xf32, #tpu.memory_space<vmem_shared>>
        tpu.enqueue_indirect_dma source(%arg19 : memref<128x128xf32, #tpu.memory_space<vmem>>) target(%dma_start3A_149 : memref<5376x128xf32, #tpu.memory_space<vmem_shared>>) offsets(%arg17 : memref<128xi32, #tpu.memory_space<vmem>>) semaphore(%run_scoped3A : memref<!tpu.dma_semaphore, #tpu.memory_space<semaphore_mem>>) {add = true}
        %dma_wait3A_150 = arith.constant 0 : i32
        %dma_wait3A_151 = arith.constant 0 : i32
        %dma_wait3A_152 = tpu.memref_slice %arg20[%dma_wait3A_150, %dma_wait3A_151] : memref<5376x128xf32, #tpu.memory_space<vmem_shared>> -> memref<5376x128xf32, #tpu.memory_space<vmem_shared>>
        tpu.wait_indirect_dma semaphore(%run_scoped3A : memref<!tpu.dma_semaphore, #tpu.memory_space<semaphore_mem>>) src(%arg19 : memref<128x128xf32, #tpu.memory_space<vmem>>) dst(%dma_wait3A_152 : memref<5376x128xf32, #tpu.memory_space<vmem_shared>>)
        tpu.yield
      }) : () -> ()
    }
    %scan3A_17 = arith.constant 80 : i32
    %dma_wait3A = arith.constant 0 : i32
    %dma_wait3A_18 = arith.constant 0 : i32
    %dma_wait3A_19 = tpu.memref_slice %arg2[%dma_wait3A, %dma_wait3A_18] : memref<10000x128xf32, #tpu.memory_space<hbm>> -> memref<10000x128xf32, #tpu.memory_space<hbm>>
    tpu.wait_indirect_dma semaphore(%arg21 : memref<!tpu.dma_semaphore, #tpu.memory_space<semaphore_mem>>) src(%dma_wait3A_19 : memref<10000x128xf32, #tpu.memory_space<hbm>>) dst(%arg18 : memref<128x128xf32, #tpu.memory_space<vmem>>)
    %barrier3A_20 = arith.constant 0 : index
    tpu.barrier barrier_id(%barrier3A_20)
    %mul3A_21 = arith.constant 320 : i32
    %mul3A_22 = arith.muli %arg1, %mul3A_21 : i32
    %mul3A_23 = arith.constant 320 : i32
    %mul3A_24 = arith.muli %arg1, %mul3A_23 : i32
    %add3A_25 = arith.addi %mul3A_0, %mul3A_24 : i32
    "tpu.region"() ({
      %run_scoped3A = tpu.sem_alloc : memref<!tpu.dma_semaphore, #tpu.memory_space<semaphore_mem>>
      %dma_start3A_111 = arith.constant 0 : i32
      %dma_start3A_112 = tpu.memref_slice %arg10[%add3A_25, %dma_start3A_111] : memref<10240x128xf32, #tpu.memory_space<hbm>> -> memref<320x128xf32, #tpu.memory_space<hbm>>
      %dma_start3A_113 = arith.constant 0 : i32
      %dma_start3A_114 = tpu.memref_slice %arg20[%mul3A_22, %dma_start3A_113] : memref<5376x128xf32, #tpu.memory_space<vmem_shared>> -> memref<320x128xf32, #tpu.memory_space<vmem_shared>>
      tpu.enqueue_dma source(%dma_start3A_114 : memref<320x128xf32, #tpu.memory_space<vmem_shared>>) target(%dma_start3A_112 : memref<320x128xf32, #tpu.memory_space<hbm>>) target_semaphore(%run_scoped3A : memref<!tpu.dma_semaphore, #tpu.memory_space<semaphore_mem>>)
      %dma_wait3A_115 = arith.constant 0 : i32
      %dma_wait3A_116 = tpu.memref_slice %arg10[%add3A_25, %dma_wait3A_115] : memref<10240x128xf32, #tpu.memory_space<hbm>> -> memref<320x128xf32, #tpu.memory_space<hbm>>
      %dma_wait3A_117 = arith.constant 0 : i32
      %dma_wait3A_118 = tpu.memref_slice %arg20[%mul3A_22, %dma_wait3A_117] : memref<5376x128xf32, #tpu.memory_space<vmem_shared>> -> memref<320x128xf32, #tpu.memory_space<vmem_shared>>
      tpu.wait_dma2 semaphore(%run_scoped3A : memref<!tpu.dma_semaphore, #tpu.memory_space<semaphore_mem>>) src(%dma_wait3A_118 : memref<320x128xf32, #tpu.memory_space<vmem_shared>>) dst(%dma_wait3A_116 : memref<320x128xf32, #tpu.memory_space<hbm>>)
      tpu.yield
    }) : () -> ()
    %barrier3A_26 = arith.constant 0 : index
    tpu.barrier barrier_id(%barrier3A_26)
    "tpu.region"() ({
      %run_scoped3A = tpu.sem_alloc : memref<!tpu.dma_semaphore, #tpu.memory_space<semaphore_mem>>
      %dma_start3A_111 = arith.constant 0 : i32
      %dma_start3A_112 = tpu.memref_slice %arg20[%mul3A_2, %dma_start3A_111] : memref<5376x128xf32, #tpu.memory_space<vmem_shared>> -> memref<336x128xf32, #tpu.memory_space<vmem_shared>>
      %dma_start3A_113 = arith.constant 0 : i32
      %dma_start3A_114 = tpu.memref_slice %arg8[%mul3A_2, %dma_start3A_113] : memref<5376x128xf32, #tpu.memory_space<hbm>> -> memref<336x128xf32, #tpu.memory_space<hbm>>
      tpu.enqueue_dma source(%dma_start3A_114 : memref<336x128xf32, #tpu.memory_space<hbm>>) target(%dma_start3A_112 : memref<336x128xf32, #tpu.memory_space<vmem_shared>>) target_semaphore(%run_scoped3A : memref<!tpu.dma_semaphore, #tpu.memory_space<semaphore_mem>>)
      %dma_wait3A_115 = arith.constant 0 : i32
      %dma_wait3A_116 = tpu.memref_slice %arg20[%mul3A_2, %dma_wait3A_115] : memref<5376x128xf32, #tpu.memory_space<vmem_shared>> -> memref<336x128xf32, #tpu.memory_space<vmem_shared>>
      %dma_wait3A_117 = arith.constant 0 : i32
      %dma_wait3A_118 = tpu.memref_slice %arg8[%mul3A_2, %dma_wait3A_117] : memref<5376x128xf32, #tpu.memory_space<hbm>> -> memref<336x128xf32, #tpu.memory_space<hbm>>
      tpu.wait_dma2 semaphore(%run_scoped3A : memref<!tpu.dma_semaphore, #tpu.memory_space<semaphore_mem>>) src(%dma_wait3A_118 : memref<336x128xf32, #tpu.memory_space<hbm>>) dst(%dma_wait3A_116 : memref<336x128xf32, #tpu.memory_space<vmem_shared>>)
      tpu.yield
    }) : () -> ()
    %barrier3A_27 = arith.constant 0 : index
    tpu.barrier barrier_id(%barrier3A_27)
    %mul3A_28 = arith.constant 16 : i32
    %mul3A_29 = arith.muli %arg0, %mul3A_28 : i32
    %add3A_30 = arith.addi %mul3A_29, %arg1 : i32
    %mul3A_31 = arith.constant 20480 : i32
    %mul3A_32 = arith.muli %add3A_30, %mul3A_31 : i32
    "tpu.region"() ({
      %run_scoped3A = tpu.sem_alloc : memref<!tpu.dma_semaphore, #tpu.memory_space<semaphore_mem>>
      tpu.enqueue_dma source(%arg9 : memref<128x128xf32, #tpu.memory_space<hbm>>) target(%arg18 : memref<128x128xf32, #tpu.memory_space<vmem>>) target_semaphore(%run_scoped3A : memref<!tpu.dma_semaphore, #tpu.memory_space<semaphore_mem>>)
      tpu.wait_dma2 semaphore(%run_scoped3A : memref<!tpu.dma_semaphore, #tpu.memory_space<semaphore_mem>>) src(%arg9 : memref<128x128xf32, #tpu.memory_space<hbm>>) dst(%arg18 : memref<128x128xf32, #tpu.memory_space<vmem>>)
      tpu.yield
    }) : () -> ()
    %add3A_33 = arith.constant 0 : i32
    %add3A_34 = arith.addi %mul3A_32, %add3A_33 : i32
    %dma_start3A_35 = tpu.memref_slice %arg5[%add3A_34] : memref<655360xi32, #tpu.memory_space<hbm>> -> memref<128xi32, #tpu.memory_space<hbm>>
    %dma_start3A_36 = tpu.memref_slice %arg5[%add3A_34] : memref<655360xi32, #tpu.memory_space<hbm>> -> memref<128xi32, #tpu.memory_space<hbm>>
    tpu.enqueue_dma source(%dma_start3A_36 : memref<128xi32, #tpu.memory_space<hbm>>) target(%arg16 : memref<128xi32, #tpu.memory_space<vmem>>) target_semaphore(%arg23 : memref<!tpu.dma_semaphore, #tpu.memory_space<semaphore_mem>>)
    %scan3A_37 = arith.constant 0 : i32
    %scan3A_38 = arith.constant 0 : i32
    %scan3A_39 = arith.constant 80 : i32
    %scan3A_40 = arith.addi %scan3A_38, %scan3A_39 : i32
    %scan3A_41 = arith.constant 1 : i32
    scf.for %scan3A_111 = %scan3A_38 to %scan3A_40 step %scan3A_41  : i32 {
      %mul3A_112 = arith.constant 2 : i32
      %mul3A_113 = arith.muli %mul3A_112, %scan3A_111 : i32
      %add3A_114 = arith.constant 1 : i32
      %add3A_115 = arith.addi %mul3A_113, %add3A_114 : i32
      %mul3A_116 = arith.constant 128 : i32
      %mul3A_117 = arith.muli %add3A_115, %mul3A_116 : i32
      %add3A_118 = arith.addi %mul3A_32, %mul3A_117 : i32
      %dma_start3A_119 = tpu.memref_slice %arg5[%add3A_118] : memref<655360xi32, #tpu.memory_space<hbm>> -> memref<128xi32, #tpu.memory_space<hbm>>
      %dma_start3A_120 = tpu.memref_slice %arg5[%add3A_118] : memref<655360xi32, #tpu.memory_space<hbm>> -> memref<128xi32, #tpu.memory_space<hbm>>
      tpu.enqueue_dma source(%dma_start3A_120 : memref<128xi32, #tpu.memory_space<hbm>>) target(%arg17 : memref<128xi32, #tpu.memory_space<vmem>>) target_semaphore(%arg24 : memref<!tpu.dma_semaphore, #tpu.memory_space<semaphore_mem>>)
      %mul3A_121 = arith.constant 128 : i32
      %mul3A_122 = arith.muli %mul3A_113, %mul3A_121 : i32
      %add3A_123 = arith.addi %mul3A_32, %mul3A_122 : i32
      %dma_wait3A_124 = tpu.memref_slice %arg5[%add3A_123] : memref<655360xi32, #tpu.memory_space<hbm>> -> memref<128xi32, #tpu.memory_space<hbm>>
      %dma_wait3A_125 = tpu.memref_slice %arg5[%add3A_123] : memref<655360xi32, #tpu.memory_space<hbm>> -> memref<128xi32, #tpu.memory_space<hbm>>
      tpu.wait_dma2 semaphore(%arg23 : memref<!tpu.dma_semaphore, #tpu.memory_space<semaphore_mem>>) src(%dma_wait3A_125 : memref<128xi32, #tpu.memory_space<hbm>>) dst(%arg16 : memref<128xi32, #tpu.memory_space<vmem>>)
      "tpu.region"() ({
        %run_scoped3A = tpu.sem_alloc : memref<!tpu.dma_semaphore, #tpu.memory_space<semaphore_mem>>
        %dma_start3A_143 = arith.constant 0 : i32
        %dma_start3A_144 = arith.constant 0 : i32
        %dma_start3A_145 = tpu.memref_slice %arg20[%dma_start3A_143, %dma_start3A_144] : memref<5376x128xf32, #tpu.memory_space<vmem_shared>> -> memref<5376x128xf32, #tpu.memory_space<vmem_shared>>
        tpu.enqueue_indirect_dma source(%arg18 : memref<128x128xf32, #tpu.memory_space<vmem>>) target(%dma_start3A_145 : memref<5376x128xf32, #tpu.memory_space<vmem_shared>>) offsets(%arg16 : memref<128xi32, #tpu.memory_space<vmem>>) semaphore(%run_scoped3A : memref<!tpu.dma_semaphore, #tpu.memory_space<semaphore_mem>>) {add = true}
        %dma_wait3A_146 = arith.constant 0 : i32
        %dma_wait3A_147 = arith.constant 0 : i32
        %dma_wait3A_148 = tpu.memref_slice %arg20[%dma_wait3A_146, %dma_wait3A_147] : memref<5376x128xf32, #tpu.memory_space<vmem_shared>> -> memref<5376x128xf32, #tpu.memory_space<vmem_shared>>
        tpu.wait_indirect_dma semaphore(%run_scoped3A : memref<!tpu.dma_semaphore, #tpu.memory_space<semaphore_mem>>) src(%arg18 : memref<128x128xf32, #tpu.memory_space<vmem>>) dst(%dma_wait3A_148 : memref<5376x128xf32, #tpu.memory_space<vmem_shared>>)
        tpu.yield
      }) : () -> ()
      %add3A_126 = arith.constant 2 : i32
      %add3A_127 = arith.addi %mul3A_113, %add3A_126 : i32
      %ge3A = arith.constant 160 : i32
      %ge3A_128 = arith.cmpi sge, %add3A_127, %ge3A : i32
      %add3A_129 = arith.constant 2 : i32
      %add3A_130 = arith.addi %mul3A_113, %add3A_129 : i32
      %jit3A = arith.constant 0 : i32
      %select_n3A = arith.select %ge3A_128, %jit3A, %add3A_130 : i32
      %mul3A_131 = arith.constant 128 : i32
      %mul3A_132 = arith.muli %select_n3A, %mul3A_131 : i32
      %add3A_133 = arith.addi %mul3A_32, %mul3A_132 : i32
      %dma_start3A_134 = tpu.memref_slice %arg5[%add3A_133] : memref<655360xi32, #tpu.memory_space<hbm>> -> memref<128xi32, #tpu.memory_space<hbm>>
      %dma_start3A_135 = tpu.memref_slice %arg5[%add3A_133] : memref<655360xi32, #tpu.memory_space<hbm>> -> memref<128xi32, #tpu.memory_space<hbm>>
      tpu.enqueue_dma source(%dma_start3A_135 : memref<128xi32, #tpu.memory_space<hbm>>) target(%arg16 : memref<128xi32, #tpu.memory_space<vmem>>) target_semaphore(%arg23 : memref<!tpu.dma_semaphore, #tpu.memory_space<semaphore_mem>>)
      %add3A_136 = arith.constant 1 : i32
      %add3A_137 = arith.addi %mul3A_113, %add3A_136 : i32
      %mul3A_138 = arith.constant 128 : i32
      %mul3A_139 = arith.muli %add3A_137, %mul3A_138 : i32
      %add3A_140 = arith.addi %mul3A_32, %mul3A_139 : i32
      %dma_wait3A_141 = tpu.memref_slice %arg5[%add3A_140] : memref<655360xi32, #tpu.memory_space<hbm>> -> memref<128xi32, #tpu.memory_space<hbm>>
      %dma_wait3A_142 = tpu.memref_slice %arg5[%add3A_140] : memref<655360xi32, #tpu.memory_space<hbm>> -> memref<128xi32, #tpu.memory_space<hbm>>
      tpu.wait_dma2 semaphore(%arg24 : memref<!tpu.dma_semaphore, #tpu.memory_space<semaphore_mem>>) src(%dma_wait3A_142 : memref<128xi32, #tpu.memory_space<hbm>>) dst(%arg17 : memref<128xi32, #tpu.memory_space<vmem>>)
      "tpu.region"() ({
        %run_scoped3A = tpu.sem_alloc : memref<!tpu.dma_semaphore, #tpu.memory_space<semaphore_mem>>
        %dma_start3A_143 = arith.constant 0 : i32
        %dma_start3A_144 = arith.constant 0 : i32
        %dma_start3A_145 = tpu.memref_slice %arg20[%dma_start3A_143, %dma_start3A_144] : memref<5376x128xf32, #tpu.memory_space<vmem_shared>> -> memref<5376x128xf32, #tpu.memory_space<vmem_shared>>
        tpu.enqueue_indirect_dma source(%arg18 : memref<128x128xf32, #tpu.memory_space<vmem>>) target(%dma_start3A_145 : memref<5376x128xf32, #tpu.memory_space<vmem_shared>>) offsets(%arg17 : memref<128xi32, #tpu.memory_space<vmem>>) semaphore(%run_scoped3A : memref<!tpu.dma_semaphore, #tpu.memory_space<semaphore_mem>>) {add = true}
        %dma_wait3A_146 = arith.constant 0 : i32
        %dma_wait3A_147 = arith.constant 0 : i32
        %dma_wait3A_148 = tpu.memref_slice %arg20[%dma_wait3A_146, %dma_wait3A_147] : memref<5376x128xf32, #tpu.memory_space<vmem_shared>> -> memref<5376x128xf32, #tpu.memory_space<vmem_shared>>
        tpu.wait_indirect_dma semaphore(%run_scoped3A : memref<!tpu.dma_semaphore, #tpu.memory_space<semaphore_mem>>) src(%arg18 : memref<128x128xf32, #tpu.memory_space<vmem>>) dst(%dma_wait3A_148 : memref<5376x128xf32, #tpu.memory_space<vmem_shared>>)
        tpu.yield
      }) : () -> ()
    }
    %scan3A_42 = arith.constant 80 : i32
    %add3A_43 = arith.constant 0 : i32
    %add3A_44 = arith.addi %mul3A_32, %add3A_43 : i32
    %dma_wait3A_45 = tpu.memref_slice %arg5[%add3A_44] : memref<655360xi32, #tpu.memory_space<hbm>> -> memref<128xi32, #tpu.memory_space<hbm>>
    %dma_wait3A_46 = tpu.memref_slice %arg5[%add3A_44] : memref<655360xi32, #tpu.memory_space<hbm>> -> memref<128xi32, #tpu.memory_space<hbm>>
    tpu.wait_dma2 semaphore(%arg23 : memref<!tpu.dma_semaphore, #tpu.memory_space<semaphore_mem>>) src(%dma_wait3A_46 : memref<128xi32, #tpu.memory_space<hbm>>) dst(%arg16 : memref<128xi32, #tpu.memory_space<vmem>>)
    %barrier3A_47 = arith.constant 0 : index
    tpu.barrier barrier_id(%barrier3A_47)
    %mul3A_48 = arith.constant 320 : i32
    %mul3A_49 = arith.muli %arg1, %mul3A_48 : i32
    %mul3A_50 = arith.constant 320 : i32
    %mul3A_51 = arith.muli %arg1, %mul3A_50 : i32
    %add3A_52 = arith.addi %mul3A_0, %mul3A_51 : i32
    "tpu.region"() ({
      %run_scoped3A = tpu.sem_alloc : memref<!tpu.dma_semaphore, #tpu.memory_space<semaphore_mem>>
      %dma_start3A_111 = arith.constant 0 : i32
      %dma_start3A_112 = tpu.memref_slice %arg12[%add3A_52, %dma_start3A_111] : memref<10240x128xf32, #tpu.memory_space<hbm>> -> memref<320x128xf32, #tpu.memory_space<hbm>>
      %dma_start3A_113 = arith.constant 0 : i32
      %dma_start3A_114 = tpu.memref_slice %arg20[%mul3A_49, %dma_start3A_113] : memref<5376x128xf32, #tpu.memory_space<vmem_shared>> -> memref<320x128xf32, #tpu.memory_space<vmem_shared>>
      tpu.enqueue_dma source(%dma_start3A_114 : memref<320x128xf32, #tpu.memory_space<vmem_shared>>) target(%dma_start3A_112 : memref<320x128xf32, #tpu.memory_space<hbm>>) target_semaphore(%run_scoped3A : memref<!tpu.dma_semaphore, #tpu.memory_space<semaphore_mem>>)
      %dma_wait3A_115 = arith.constant 0 : i32
      %dma_wait3A_116 = tpu.memref_slice %arg12[%add3A_52, %dma_wait3A_115] : memref<10240x128xf32, #tpu.memory_space<hbm>> -> memref<320x128xf32, #tpu.memory_space<hbm>>
      %dma_wait3A_117 = arith.constant 0 : i32
      %dma_wait3A_118 = tpu.memref_slice %arg20[%mul3A_49, %dma_wait3A_117] : memref<5376x128xf32, #tpu.memory_space<vmem_shared>> -> memref<320x128xf32, #tpu.memory_space<vmem_shared>>
      tpu.wait_dma2 semaphore(%run_scoped3A : memref<!tpu.dma_semaphore, #tpu.memory_space<semaphore_mem>>) src(%dma_wait3A_118 : memref<320x128xf32, #tpu.memory_space<vmem_shared>>) dst(%dma_wait3A_116 : memref<320x128xf32, #tpu.memory_space<hbm>>)
      tpu.yield
    }) : () -> ()
    %barrier3A_53 = arith.constant 0 : index
    tpu.barrier barrier_id(%barrier3A_53)
    "tpu.region"() ({
      %run_scoped3A = tpu.sem_alloc : memref<!tpu.dma_semaphore, #tpu.memory_space<semaphore_mem>>
      %dma_start3A_111 = arith.constant 0 : i32
      %dma_start3A_112 = tpu.memref_slice %arg20[%mul3A_2, %dma_start3A_111] : memref<5376x128xf32, #tpu.memory_space<vmem_shared>> -> memref<336x128xf32, #tpu.memory_space<vmem_shared>>
      %dma_start3A_113 = arith.constant 0 : i32
      %dma_start3A_114 = tpu.memref_slice %arg8[%mul3A_2, %dma_start3A_113] : memref<5376x128xf32, #tpu.memory_space<hbm>> -> memref<336x128xf32, #tpu.memory_space<hbm>>
      tpu.enqueue_dma source(%dma_start3A_114 : memref<336x128xf32, #tpu.memory_space<hbm>>) target(%dma_start3A_112 : memref<336x128xf32, #tpu.memory_space<vmem_shared>>) target_semaphore(%run_scoped3A : memref<!tpu.dma_semaphore, #tpu.memory_space<semaphore_mem>>)
      %dma_wait3A_115 = arith.constant 0 : i32
      %dma_wait3A_116 = tpu.memref_slice %arg20[%mul3A_2, %dma_wait3A_115] : memref<5376x128xf32, #tpu.memory_space<vmem_shared>> -> memref<336x128xf32, #tpu.memory_space<vmem_shared>>
      %dma_wait3A_117 = arith.constant 0 : i32
      %dma_wait3A_118 = tpu.memref_slice %arg8[%mul3A_2, %dma_wait3A_117] : memref<5376x128xf32, #tpu.memory_space<hbm>> -> memref<336x128xf32, #tpu.memory_space<hbm>>
      tpu.wait_dma2 semaphore(%run_scoped3A : memref<!tpu.dma_semaphore, #tpu.memory_space<semaphore_mem>>) src(%dma_wait3A_118 : memref<336x128xf32, #tpu.memory_space<hbm>>) dst(%dma_wait3A_116 : memref<336x128xf32, #tpu.memory_space<vmem_shared>>)
      tpu.yield
    }) : () -> ()
    %barrier3A_54 = arith.constant 0 : index
    tpu.barrier barrier_id(%barrier3A_54)
    %mul3A_55 = arith.constant 20480 : i32
    %mul3A_56 = arith.muli %arg1, %mul3A_55 : i32
    %mul3A_57 = arith.constant 16 : i32
    %mul3A_58 = arith.muli %arg0, %mul3A_57 : i32
    %add3A_59 = arith.addi %mul3A_58, %arg1 : i32
    %mul3A_60 = arith.constant 20480 : i32
    %mul3A_61 = arith.muli %add3A_59, %mul3A_60 : i32
    %add3A_62 = arith.constant 0 : i32
    %add3A_63 = arith.addi %mul3A_56, %add3A_62 : i32
    "tpu.region"() ({
      %run_scoped3A = tpu.sem_alloc : memref<!tpu.dma_semaphore, #tpu.memory_space<semaphore_mem>>
      %dma_start3A_111 = tpu.memref_slice %arg6[%add3A_63] : memref<327680xi32, #tpu.memory_space<hbm>> -> memref<128xi32, #tpu.memory_space<hbm>>
      %dma_start3A_112 = tpu.memref_slice %arg6[%add3A_63] : memref<327680xi32, #tpu.memory_space<hbm>> -> memref<128xi32, #tpu.memory_space<hbm>>
      tpu.enqueue_dma source(%dma_start3A_112 : memref<128xi32, #tpu.memory_space<hbm>>) target(%arg14 : memref<128xi32, #tpu.memory_space<vmem>>) target_semaphore(%run_scoped3A : memref<!tpu.dma_semaphore, #tpu.memory_space<semaphore_mem>>)
      %dma_wait3A_113 = tpu.memref_slice %arg6[%add3A_63] : memref<327680xi32, #tpu.memory_space<hbm>> -> memref<128xi32, #tpu.memory_space<hbm>>
      %dma_wait3A_114 = tpu.memref_slice %arg6[%add3A_63] : memref<327680xi32, #tpu.memory_space<hbm>> -> memref<128xi32, #tpu.memory_space<hbm>>
      tpu.wait_dma2 semaphore(%run_scoped3A : memref<!tpu.dma_semaphore, #tpu.memory_space<semaphore_mem>>) src(%dma_wait3A_114 : memref<128xi32, #tpu.memory_space<hbm>>) dst(%arg14 : memref<128xi32, #tpu.memory_space<vmem>>)
      tpu.yield
    }) : () -> ()
    %dma_start3A_64 = arith.constant 0 : i32
    %dma_start3A_65 = arith.constant 0 : i32
    %dma_start3A_66 = tpu.memref_slice %arg3[%dma_start3A_64, %dma_start3A_65] : memref<10000x128xf32, #tpu.memory_space<hbm>> -> memref<10000x128xf32, #tpu.memory_space<hbm>>
    tpu.enqueue_indirect_dma source(%dma_start3A_66 : memref<10000x128xf32, #tpu.memory_space<hbm>>) target(%arg18 : memref<128x128xf32, #tpu.memory_space<vmem>>) offsets(%arg14 : memref<128xi32, #tpu.memory_space<vmem>>) semaphore(%arg21 : memref<!tpu.dma_semaphore, #tpu.memory_space<semaphore_mem>>)
    %scan3A_67 = arith.constant 0 : i32
    %scan3A_68 = arith.constant 0 : i32
    %scan3A_69 = arith.constant 80 : i32
    %scan3A_70 = arith.addi %scan3A_68, %scan3A_69 : i32
    %scan3A_71 = arith.constant 1 : i32
    scf.for %scan3A_111 = %scan3A_68 to %scan3A_70 step %scan3A_71  : i32 {
      %mul3A_112 = arith.constant 2 : i32
      %mul3A_113 = arith.muli %mul3A_112, %scan3A_111 : i32
      %add3A_114 = arith.constant 1 : i32
      %add3A_115 = arith.addi %mul3A_113, %add3A_114 : i32
      %mul3A_116 = arith.constant 128 : i32
      %mul3A_117 = arith.muli %add3A_115, %mul3A_116 : i32
      %add3A_118 = arith.addi %mul3A_56, %mul3A_117 : i32
      "tpu.region"() ({
        %run_scoped3A = tpu.sem_alloc : memref<!tpu.dma_semaphore, #tpu.memory_space<semaphore_mem>>
        %dma_start3A_147 = tpu.memref_slice %arg6[%add3A_118] : memref<327680xi32, #tpu.memory_space<hbm>> -> memref<128xi32, #tpu.memory_space<hbm>>
        %dma_start3A_148 = tpu.memref_slice %arg6[%add3A_118] : memref<327680xi32, #tpu.memory_space<hbm>> -> memref<128xi32, #tpu.memory_space<hbm>>
        tpu.enqueue_dma source(%dma_start3A_148 : memref<128xi32, #tpu.memory_space<hbm>>) target(%arg15 : memref<128xi32, #tpu.memory_space<vmem>>) target_semaphore(%run_scoped3A : memref<!tpu.dma_semaphore, #tpu.memory_space<semaphore_mem>>)
        %dma_wait3A_149 = tpu.memref_slice %arg6[%add3A_118] : memref<327680xi32, #tpu.memory_space<hbm>> -> memref<128xi32, #tpu.memory_space<hbm>>
        %dma_wait3A_150 = tpu.memref_slice %arg6[%add3A_118] : memref<327680xi32, #tpu.memory_space<hbm>> -> memref<128xi32, #tpu.memory_space<hbm>>
        tpu.wait_dma2 semaphore(%run_scoped3A : memref<!tpu.dma_semaphore, #tpu.memory_space<semaphore_mem>>) src(%dma_wait3A_150 : memref<128xi32, #tpu.memory_space<hbm>>) dst(%arg15 : memref<128xi32, #tpu.memory_space<vmem>>)
        tpu.yield
      }) : () -> ()
      %dma_start3A_119 = arith.constant 0 : i32
      %dma_start3A_120 = arith.constant 0 : i32
      %dma_start3A_121 = tpu.memref_slice %arg3[%dma_start3A_119, %dma_start3A_120] : memref<10000x128xf32, #tpu.memory_space<hbm>> -> memref<10000x128xf32, #tpu.memory_space<hbm>>
      tpu.enqueue_indirect_dma source(%dma_start3A_121 : memref<10000x128xf32, #tpu.memory_space<hbm>>) target(%arg19 : memref<128x128xf32, #tpu.memory_space<vmem>>) offsets(%arg15 : memref<128xi32, #tpu.memory_space<vmem>>) semaphore(%arg22 : memref<!tpu.dma_semaphore, #tpu.memory_space<semaphore_mem>>)
      %mul3A_122 = arith.constant 128 : i32
      %mul3A_123 = arith.muli %mul3A_113, %mul3A_122 : i32
      %add3A_124 = arith.addi %mul3A_61, %mul3A_123 : i32
      "tpu.region"() ({
        %run_scoped3A = tpu.sem_alloc : memref<!tpu.dma_semaphore, #tpu.memory_space<semaphore_mem>>
        %dma_start3A_147 = tpu.memref_slice %arg7[%add3A_124] : memref<655360xi32, #tpu.memory_space<hbm>> -> memref<128xi32, #tpu.memory_space<hbm>>
        %dma_start3A_148 = tpu.memref_slice %arg7[%add3A_124] : memref<655360xi32, #tpu.memory_space<hbm>> -> memref<128xi32, #tpu.memory_space<hbm>>
        tpu.enqueue_dma source(%dma_start3A_148 : memref<128xi32, #tpu.memory_space<hbm>>) target(%arg16 : memref<128xi32, #tpu.memory_space<vmem>>) target_semaphore(%run_scoped3A : memref<!tpu.dma_semaphore, #tpu.memory_space<semaphore_mem>>)
        %dma_wait3A_149 = tpu.memref_slice %arg7[%add3A_124] : memref<655360xi32, #tpu.memory_space<hbm>> -> memref<128xi32, #tpu.memory_space<hbm>>
        %dma_wait3A_150 = tpu.memref_slice %arg7[%add3A_124] : memref<655360xi32, #tpu.memory_space<hbm>> -> memref<128xi32, #tpu.memory_space<hbm>>
        tpu.wait_dma2 semaphore(%run_scoped3A : memref<!tpu.dma_semaphore, #tpu.memory_space<semaphore_mem>>) src(%dma_wait3A_150 : memref<128xi32, #tpu.memory_space<hbm>>) dst(%arg16 : memref<128xi32, #tpu.memory_space<vmem>>)
        tpu.yield
      }) : () -> ()
      %dma_wait3A_125 = arith.constant 0 : i32
      %dma_wait3A_126 = arith.constant 0 : i32
      %dma_wait3A_127 = tpu.memref_slice %arg3[%dma_wait3A_125, %dma_wait3A_126] : memref<10000x128xf32, #tpu.memory_space<hbm>> -> memref<10000x128xf32, #tpu.memory_space<hbm>>
      tpu.wait_indirect_dma semaphore(%arg21 : memref<!tpu.dma_semaphore, #tpu.memory_space<semaphore_mem>>) src(%dma_wait3A_127 : memref<10000x128xf32, #tpu.memory_space<hbm>>) dst(%arg18 : memref<128x128xf32, #tpu.memory_space<vmem>>)
      "tpu.region"() ({
        %run_scoped3A = tpu.sem_alloc : memref<!tpu.dma_semaphore, #tpu.memory_space<semaphore_mem>>
        %dma_start3A_147 = arith.constant 0 : i32
        %dma_start3A_148 = arith.constant 0 : i32
        %dma_start3A_149 = tpu.memref_slice %arg20[%dma_start3A_147, %dma_start3A_148] : memref<5376x128xf32, #tpu.memory_space<vmem_shared>> -> memref<5376x128xf32, #tpu.memory_space<vmem_shared>>
        tpu.enqueue_indirect_dma source(%arg18 : memref<128x128xf32, #tpu.memory_space<vmem>>) target(%dma_start3A_149 : memref<5376x128xf32, #tpu.memory_space<vmem_shared>>) offsets(%arg16 : memref<128xi32, #tpu.memory_space<vmem>>) semaphore(%run_scoped3A : memref<!tpu.dma_semaphore, #tpu.memory_space<semaphore_mem>>) {add = true}
        %dma_wait3A_150 = arith.constant 0 : i32
        %dma_wait3A_151 = arith.constant 0 : i32
        %dma_wait3A_152 = tpu.memref_slice %arg20[%dma_wait3A_150, %dma_wait3A_151] : memref<5376x128xf32, #tpu.memory_space<vmem_shared>> -> memref<5376x128xf32, #tpu.memory_space<vmem_shared>>
        tpu.wait_indirect_dma semaphore(%run_scoped3A : memref<!tpu.dma_semaphore, #tpu.memory_space<semaphore_mem>>) src(%arg18 : memref<128x128xf32, #tpu.memory_space<vmem>>) dst(%dma_wait3A_152 : memref<5376x128xf32, #tpu.memory_space<vmem_shared>>)
        tpu.yield
      }) : () -> ()
      %add3A_128 = arith.constant 2 : i32
      %add3A_129 = arith.addi %mul3A_113, %add3A_128 : i32
      %ge3A = arith.constant 160 : i32
      %ge3A_130 = arith.cmpi sge, %add3A_129, %ge3A : i32
      %add3A_131 = arith.constant 2 : i32
      %add3A_132 = arith.addi %mul3A_113, %add3A_131 : i32
      %jit3A = arith.constant 0 : i32
      %select_n3A = arith.select %ge3A_130, %jit3A, %add3A_132 : i32
      %mul3A_133 = arith.constant 128 : i32
      %mul3A_134 = arith.muli %select_n3A, %mul3A_133 : i32
      %add3A_135 = arith.addi %mul3A_56, %mul3A_134 : i32
      "tpu.region"() ({
        %run_scoped3A = tpu.sem_alloc : memref<!tpu.dma_semaphore, #tpu.memory_space<semaphore_mem>>
        %dma_start3A_147 = tpu.memref_slice %arg6[%add3A_135] : memref<327680xi32, #tpu.memory_space<hbm>> -> memref<128xi32, #tpu.memory_space<hbm>>
        %dma_start3A_148 = tpu.memref_slice %arg6[%add3A_135] : memref<327680xi32, #tpu.memory_space<hbm>> -> memref<128xi32, #tpu.memory_space<hbm>>
        tpu.enqueue_dma source(%dma_start3A_148 : memref<128xi32, #tpu.memory_space<hbm>>) target(%arg14 : memref<128xi32, #tpu.memory_space<vmem>>) target_semaphore(%run_scoped3A : memref<!tpu.dma_semaphore, #tpu.memory_space<semaphore_mem>>)
        %dma_wait3A_149 = tpu.memref_slice %arg6[%add3A_135] : memref<327680xi32, #tpu.memory_space<hbm>> -> memref<128xi32, #tpu.memory_space<hbm>>
        %dma_wait3A_150 = tpu.memref_slice %arg6[%add3A_135] : memref<327680xi32, #tpu.memory_space<hbm>> -> memref<128xi32, #tpu.memory_space<hbm>>
        tpu.wait_dma2 semaphore(%run_scoped3A : memref<!tpu.dma_semaphore, #tpu.memory_space<semaphore_mem>>) src(%dma_wait3A_150 : memref<128xi32, #tpu.memory_space<hbm>>) dst(%arg14 : memref<128xi32, #tpu.memory_space<vmem>>)
        tpu.yield
      }) : () -> ()
      %dma_start3A_136 = arith.constant 0 : i32
      %dma_start3A_137 = arith.constant 0 : i32
      %dma_start3A_138 = tpu.memref_slice %arg3[%dma_start3A_136, %dma_start3A_137] : memref<10000x128xf32, #tpu.memory_space<hbm>> -> memref<10000x128xf32, #tpu.memory_space<hbm>>
      tpu.enqueue_indirect_dma source(%dma_start3A_138 : memref<10000x128xf32, #tpu.memory_space<hbm>>) target(%arg18 : memref<128x128xf32, #tpu.memory_space<vmem>>) offsets(%arg14 : memref<128xi32, #tpu.memory_space<vmem>>) semaphore(%arg21 : memref<!tpu.dma_semaphore, #tpu.memory_space<semaphore_mem>>)
      %add3A_139 = arith.constant 1 : i32
      %add3A_140 = arith.addi %mul3A_113, %add3A_139 : i32
      %mul3A_141 = arith.constant 128 : i32
      %mul3A_142 = arith.muli %add3A_140, %mul3A_141 : i32
      %add3A_143 = arith.addi %mul3A_61, %mul3A_142 : i32
      "tpu.region"() ({
        %run_scoped3A = tpu.sem_alloc : memref<!tpu.dma_semaphore, #tpu.memory_space<semaphore_mem>>
        %dma_start3A_147 = tpu.memref_slice %arg7[%add3A_143] : memref<655360xi32, #tpu.memory_space<hbm>> -> memref<128xi32, #tpu.memory_space<hbm>>
        %dma_start3A_148 = tpu.memref_slice %arg7[%add3A_143] : memref<655360xi32, #tpu.memory_space<hbm>> -> memref<128xi32, #tpu.memory_space<hbm>>
        tpu.enqueue_dma source(%dma_start3A_148 : memref<128xi32, #tpu.memory_space<hbm>>) target(%arg17 : memref<128xi32, #tpu.memory_space<vmem>>) target_semaphore(%run_scoped3A : memref<!tpu.dma_semaphore, #tpu.memory_space<semaphore_mem>>)
        %dma_wait3A_149 = tpu.memref_slice %arg7[%add3A_143] : memref<655360xi32, #tpu.memory_space<hbm>> -> memref<128xi32, #tpu.memory_space<hbm>>
        %dma_wait3A_150 = tpu.memref_slice %arg7[%add3A_143] : memref<655360xi32, #tpu.memory_space<hbm>> -> memref<128xi32, #tpu.memory_space<hbm>>
        tpu.wait_dma2 semaphore(%run_scoped3A : memref<!tpu.dma_semaphore, #tpu.memory_space<semaphore_mem>>) src(%dma_wait3A_150 : memref<128xi32, #tpu.memory_space<hbm>>) dst(%arg17 : memref<128xi32, #tpu.memory_space<vmem>>)
        tpu.yield
      }) : () -> ()
      %dma_wait3A_144 = arith.constant 0 : i32
      %dma_wait3A_145 = arith.constant 0 : i32
      %dma_wait3A_146 = tpu.memref_slice %arg3[%dma_wait3A_144, %dma_wait3A_145] : memref<10000x128xf32, #tpu.memory_space<hbm>> -> memref<10000x128xf32, #tpu.memory_space<hbm>>
      tpu.wait_indirect_dma semaphore(%arg22 : memref<!tpu.dma_semaphore, #tpu.memory_space<semaphore_mem>>) src(%dma_wait3A_146 : memref<10000x128xf32, #tpu.memory_space<hbm>>) dst(%arg19 : memref<128x128xf32, #tpu.memory_space<vmem>>)
      "tpu.region"() ({
        %run_scoped3A = tpu.sem_alloc : memref<!tpu.dma_semaphore, #tpu.memory_space<semaphore_mem>>
        %dma_start3A_147 = arith.constant 0 : i32
        %dma_start3A_148 = arith.constant 0 : i32
        %dma_start3A_149 = tpu.memref_slice %arg20[%dma_start3A_147, %dma_start3A_148] : memref<5376x128xf32, #tpu.memory_space<vmem_shared>> -> memref<5376x128xf32, #tpu.memory_space<vmem_shared>>
        tpu.enqueue_indirect_dma source(%arg19 : memref<128x128xf32, #tpu.memory_space<vmem>>) target(%dma_start3A_149 : memref<5376x128xf32, #tpu.memory_space<vmem_shared>>) offsets(%arg17 : memref<128xi32, #tpu.memory_space<vmem>>) semaphore(%run_scoped3A : memref<!tpu.dma_semaphore, #tpu.memory_space<semaphore_mem>>) {add = true}
        %dma_wait3A_150 = arith.constant 0 : i32
        %dma_wait3A_151 = arith.constant 0 : i32
        %dma_wait3A_152 = tpu.memref_slice %arg20[%dma_wait3A_150, %dma_wait3A_151] : memref<5376x128xf32, #tpu.memory_space<vmem_shared>> -> memref<5376x128xf32, #tpu.memory_space<vmem_shared>>
        tpu.wait_indirect_dma semaphore(%run_scoped3A : memref<!tpu.dma_semaphore, #tpu.memory_space<semaphore_mem>>) src(%arg19 : memref<128x128xf32, #tpu.memory_space<vmem>>) dst(%dma_wait3A_152 : memref<5376x128xf32, #tpu.memory_space<vmem_shared>>)
        tpu.yield
      }) : () -> ()
    }
    %scan3A_72 = arith.constant 80 : i32
    %dma_wait3A_73 = arith.constant 0 : i32
    %dma_wait3A_74 = arith.constant 0 : i32
    %dma_wait3A_75 = tpu.memref_slice %arg3[%dma_wait3A_73, %dma_wait3A_74] : memref<10000x128xf32, #tpu.memory_space<hbm>> -> memref<10000x128xf32, #tpu.memory_space<hbm>>
    tpu.wait_indirect_dma semaphore(%arg21 : memref<!tpu.dma_semaphore, #tpu.memory_space<semaphore_mem>>) src(%dma_wait3A_75 : memref<10000x128xf32, #tpu.memory_space<hbm>>) dst(%arg18 : memref<128x128xf32, #tpu.memory_space<vmem>>)
    %barrier3A_76 = arith.constant 0 : index
    tpu.barrier barrier_id(%barrier3A_76)
    %mul3A_77 = arith.constant 320 : i32
    %mul3A_78 = arith.muli %arg1, %mul3A_77 : i32
    %mul3A_79 = arith.constant 320 : i32
    %mul3A_80 = arith.muli %arg1, %mul3A_79 : i32
    %add3A_81 = arith.addi %mul3A_0, %mul3A_80 : i32
    "tpu.region"() ({
      %run_scoped3A = tpu.sem_alloc : memref<!tpu.dma_semaphore, #tpu.memory_space<semaphore_mem>>
      %dma_start3A_111 = arith.constant 0 : i32
      %dma_start3A_112 = tpu.memref_slice %arg11[%add3A_81, %dma_start3A_111] : memref<10240x128xf32, #tpu.memory_space<hbm>> -> memref<320x128xf32, #tpu.memory_space<hbm>>
      %dma_start3A_113 = arith.constant 0 : i32
      %dma_start3A_114 = tpu.memref_slice %arg20[%mul3A_78, %dma_start3A_113] : memref<5376x128xf32, #tpu.memory_space<vmem_shared>> -> memref<320x128xf32, #tpu.memory_space<vmem_shared>>
      tpu.enqueue_dma source(%dma_start3A_114 : memref<320x128xf32, #tpu.memory_space<vmem_shared>>) target(%dma_start3A_112 : memref<320x128xf32, #tpu.memory_space<hbm>>) target_semaphore(%run_scoped3A : memref<!tpu.dma_semaphore, #tpu.memory_space<semaphore_mem>>)
      %dma_wait3A_115 = arith.constant 0 : i32
      %dma_wait3A_116 = tpu.memref_slice %arg11[%add3A_81, %dma_wait3A_115] : memref<10240x128xf32, #tpu.memory_space<hbm>> -> memref<320x128xf32, #tpu.memory_space<hbm>>
      %dma_wait3A_117 = arith.constant 0 : i32
      %dma_wait3A_118 = tpu.memref_slice %arg20[%mul3A_78, %dma_wait3A_117] : memref<5376x128xf32, #tpu.memory_space<vmem_shared>> -> memref<320x128xf32, #tpu.memory_space<vmem_shared>>
      tpu.wait_dma2 semaphore(%run_scoped3A : memref<!tpu.dma_semaphore, #tpu.memory_space<semaphore_mem>>) src(%dma_wait3A_118 : memref<320x128xf32, #tpu.memory_space<vmem_shared>>) dst(%dma_wait3A_116 : memref<320x128xf32, #tpu.memory_space<hbm>>)
      tpu.yield
    }) : () -> ()
    %barrier3A_82 = arith.constant 0 : index
    tpu.barrier barrier_id(%barrier3A_82)
    "tpu.region"() ({
      %run_scoped3A = tpu.sem_alloc : memref<!tpu.dma_semaphore, #tpu.memory_space<semaphore_mem>>
      %dma_start3A_111 = arith.constant 0 : i32
      %dma_start3A_112 = tpu.memref_slice %arg20[%mul3A_2, %dma_start3A_111] : memref<5376x128xf32, #tpu.memory_space<vmem_shared>> -> memref<336x128xf32, #tpu.memory_space<vmem_shared>>
      %dma_start3A_113 = arith.constant 0 : i32
      %dma_start3A_114 = tpu.memref_slice %arg8[%mul3A_2, %dma_start3A_113] : memref<5376x128xf32, #tpu.memory_space<hbm>> -> memref<336x128xf32, #tpu.memory_space<hbm>>
      tpu.enqueue_dma source(%dma_start3A_114 : memref<336x128xf32, #tpu.memory_space<hbm>>) target(%dma_start3A_112 : memref<336x128xf32, #tpu.memory_space<vmem_shared>>) target_semaphore(%run_scoped3A : memref<!tpu.dma_semaphore, #tpu.memory_space<semaphore_mem>>)
      %dma_wait3A_115 = arith.constant 0 : i32
      %dma_wait3A_116 = tpu.memref_slice %arg20[%mul3A_2, %dma_wait3A_115] : memref<5376x128xf32, #tpu.memory_space<vmem_shared>> -> memref<336x128xf32, #tpu.memory_space<vmem_shared>>
      %dma_wait3A_117 = arith.constant 0 : i32
      %dma_wait3A_118 = tpu.memref_slice %arg8[%mul3A_2, %dma_wait3A_117] : memref<5376x128xf32, #tpu.memory_space<hbm>> -> memref<336x128xf32, #tpu.memory_space<hbm>>
      tpu.wait_dma2 semaphore(%run_scoped3A : memref<!tpu.dma_semaphore, #tpu.memory_space<semaphore_mem>>) src(%dma_wait3A_118 : memref<336x128xf32, #tpu.memory_space<hbm>>) dst(%dma_wait3A_116 : memref<336x128xf32, #tpu.memory_space<vmem_shared>>)
      tpu.yield
    }) : () -> ()
    %barrier3A_83 = arith.constant 0 : index
    tpu.barrier barrier_id(%barrier3A_83)
    %mul3A_84 = arith.constant 16 : i32
    %mul3A_85 = arith.muli %arg0, %mul3A_84 : i32
    %add3A_86 = arith.addi %mul3A_85, %arg1 : i32
    %mul3A_87 = arith.constant 20480 : i32
    %mul3A_88 = arith.muli %add3A_86, %mul3A_87 : i32
    "tpu.region"() ({
      %run_scoped3A = tpu.sem_alloc : memref<!tpu.dma_semaphore, #tpu.memory_space<semaphore_mem>>
      tpu.enqueue_dma source(%arg9 : memref<128x128xf32, #tpu.memory_space<hbm>>) target(%arg18 : memref<128x128xf32, #tpu.memory_space<vmem>>) target_semaphore(%run_scoped3A : memref<!tpu.dma_semaphore, #tpu.memory_space<semaphore_mem>>)
      tpu.wait_dma2 semaphore(%run_scoped3A : memref<!tpu.dma_semaphore, #tpu.memory_space<semaphore_mem>>) src(%arg9 : memref<128x128xf32, #tpu.memory_space<hbm>>) dst(%arg18 : memref<128x128xf32, #tpu.memory_space<vmem>>)
      tpu.yield
    }) : () -> ()
    %add3A_89 = arith.constant 0 : i32
    %add3A_90 = arith.addi %mul3A_88, %add3A_89 : i32
    %dma_start3A_91 = tpu.memref_slice %arg7[%add3A_90] : memref<655360xi32, #tpu.memory_space<hbm>> -> memref<128xi32, #tpu.memory_space<hbm>>
    %dma_start3A_92 = tpu.memref_slice %arg7[%add3A_90] : memref<655360xi32, #tpu.memory_space<hbm>> -> memref<128xi32, #tpu.memory_space<hbm>>
    tpu.enqueue_dma source(%dma_start3A_92 : memref<128xi32, #tpu.memory_space<hbm>>) target(%arg16 : memref<128xi32, #tpu.memory_space<vmem>>) target_semaphore(%arg23 : memref<!tpu.dma_semaphore, #tpu.memory_space<semaphore_mem>>)
    %scan3A_93 = arith.constant 0 : i32
    %scan3A_94 = arith.constant 0 : i32
    %scan3A_95 = arith.constant 80 : i32
    %scan3A_96 = arith.addi %scan3A_94, %scan3A_95 : i32
    %scan3A_97 = arith.constant 1 : i32
    scf.for %scan3A_111 = %scan3A_94 to %scan3A_96 step %scan3A_97  : i32 {
      %mul3A_112 = arith.constant 2 : i32
      %mul3A_113 = arith.muli %mul3A_112, %scan3A_111 : i32
      %add3A_114 = arith.constant 1 : i32
      %add3A_115 = arith.addi %mul3A_113, %add3A_114 : i32
      %mul3A_116 = arith.constant 128 : i32
      %mul3A_117 = arith.muli %add3A_115, %mul3A_116 : i32
      %add3A_118 = arith.addi %mul3A_88, %mul3A_117 : i32
      %dma_start3A_119 = tpu.memref_slice %arg7[%add3A_118] : memref<655360xi32, #tpu.memory_space<hbm>> -> memref<128xi32, #tpu.memory_space<hbm>>
      %dma_start3A_120 = tpu.memref_slice %arg7[%add3A_118] : memref<655360xi32, #tpu.memory_space<hbm>> -> memref<128xi32, #tpu.memory_space<hbm>>
      tpu.enqueue_dma source(%dma_start3A_120 : memref<128xi32, #tpu.memory_space<hbm>>) target(%arg17 : memref<128xi32, #tpu.memory_space<vmem>>) target_semaphore(%arg24 : memref<!tpu.dma_semaphore, #tpu.memory_space<semaphore_mem>>)
      %mul3A_121 = arith.constant 128 : i32
      %mul3A_122 = arith.muli %mul3A_113, %mul3A_121 : i32
      %add3A_123 = arith.addi %mul3A_88, %mul3A_122 : i32
      %dma_wait3A_124 = tpu.memref_slice %arg7[%add3A_123] : memref<655360xi32, #tpu.memory_space<hbm>> -> memref<128xi32, #tpu.memory_space<hbm>>
      %dma_wait3A_125 = tpu.memref_slice %arg7[%add3A_123] : memref<655360xi32, #tpu.memory_space<hbm>> -> memref<128xi32, #tpu.memory_space<hbm>>
      tpu.wait_dma2 semaphore(%arg23 : memref<!tpu.dma_semaphore, #tpu.memory_space<semaphore_mem>>) src(%dma_wait3A_125 : memref<128xi32, #tpu.memory_space<hbm>>) dst(%arg16 : memref<128xi32, #tpu.memory_space<vmem>>)
      "tpu.region"() ({
        %run_scoped3A = tpu.sem_alloc : memref<!tpu.dma_semaphore, #tpu.memory_space<semaphore_mem>>
        %dma_start3A_143 = arith.constant 0 : i32
        %dma_start3A_144 = arith.constant 0 : i32
        %dma_start3A_145 = tpu.memref_slice %arg20[%dma_start3A_143, %dma_start3A_144] : memref<5376x128xf32, #tpu.memory_space<vmem_shared>> -> memref<5376x128xf32, #tpu.memory_space<vmem_shared>>
        tpu.enqueue_indirect_dma source(%arg18 : memref<128x128xf32, #tpu.memory_space<vmem>>) target(%dma_start3A_145 : memref<5376x128xf32, #tpu.memory_space<vmem_shared>>) offsets(%arg16 : memref<128xi32, #tpu.memory_space<vmem>>) semaphore(%run_scoped3A : memref<!tpu.dma_semaphore, #tpu.memory_space<semaphore_mem>>) {add = true}
        %dma_wait3A_146 = arith.constant 0 : i32
        %dma_wait3A_147 = arith.constant 0 : i32
        %dma_wait3A_148 = tpu.memref_slice %arg20[%dma_wait3A_146, %dma_wait3A_147] : memref<5376x128xf32, #tpu.memory_space<vmem_shared>> -> memref<5376x128xf32, #tpu.memory_space<vmem_shared>>
        tpu.wait_indirect_dma semaphore(%run_scoped3A : memref<!tpu.dma_semaphore, #tpu.memory_space<semaphore_mem>>) src(%arg18 : memref<128x128xf32, #tpu.memory_space<vmem>>) dst(%dma_wait3A_148 : memref<5376x128xf32, #tpu.memory_space<vmem_shared>>)
        tpu.yield
      }) : () -> ()
      %add3A_126 = arith.constant 2 : i32
      %add3A_127 = arith.addi %mul3A_113, %add3A_126 : i32
      %ge3A = arith.constant 160 : i32
      %ge3A_128 = arith.cmpi sge, %add3A_127, %ge3A : i32
      %add3A_129 = arith.constant 2 : i32
      %add3A_130 = arith.addi %mul3A_113, %add3A_129 : i32
      %jit3A = arith.constant 0 : i32
      %select_n3A = arith.select %ge3A_128, %jit3A, %add3A_130 : i32
      %mul3A_131 = arith.constant 128 : i32
      %mul3A_132 = arith.muli %select_n3A, %mul3A_131 : i32
      %add3A_133 = arith.addi %mul3A_88, %mul3A_132 : i32
      %dma_start3A_134 = tpu.memref_slice %arg7[%add3A_133] : memref<655360xi32, #tpu.memory_space<hbm>> -> memref<128xi32, #tpu.memory_space<hbm>>
      %dma_start3A_135 = tpu.memref_slice %arg7[%add3A_133] : memref<655360xi32, #tpu.memory_space<hbm>> -> memref<128xi32, #tpu.memory_space<hbm>>
      tpu.enqueue_dma source(%dma_start3A_135 : memref<128xi32, #tpu.memory_space<hbm>>) target(%arg16 : memref<128xi32, #tpu.memory_space<vmem>>) target_semaphore(%arg23 : memref<!tpu.dma_semaphore, #tpu.memory_space<semaphore_mem>>)
      %add3A_136 = arith.constant 1 : i32
      %add3A_137 = arith.addi %mul3A_113, %add3A_136 : i32
      %mul3A_138 = arith.constant 128 : i32
      %mul3A_139 = arith.muli %add3A_137, %mul3A_138 : i32
      %add3A_140 = arith.addi %mul3A_88, %mul3A_139 : i32
      %dma_wait3A_141 = tpu.memref_slice %arg7[%add3A_140] : memref<655360xi32, #tpu.memory_space<hbm>> -> memref<128xi32, #tpu.memory_space<hbm>>
      %dma_wait3A_142 = tpu.memref_slice %arg7[%add3A_140] : memref<655360xi32, #tpu.memory_space<hbm>> -> memref<128xi32, #tpu.memory_space<hbm>>
      tpu.wait_dma2 semaphore(%arg24 : memref<!tpu.dma_semaphore, #tpu.memory_space<semaphore_mem>>) src(%dma_wait3A_142 : memref<128xi32, #tpu.memory_space<hbm>>) dst(%arg17 : memref<128xi32, #tpu.memory_space<vmem>>)
      "tpu.region"() ({
        %run_scoped3A = tpu.sem_alloc : memref<!tpu.dma_semaphore, #tpu.memory_space<semaphore_mem>>
        %dma_start3A_143 = arith.constant 0 : i32
        %dma_start3A_144 = arith.constant 0 : i32
        %dma_start3A_145 = tpu.memref_slice %arg20[%dma_start3A_143, %dma_start3A_144] : memref<5376x128xf32, #tpu.memory_space<vmem_shared>> -> memref<5376x128xf32, #tpu.memory_space<vmem_shared>>
        tpu.enqueue_indirect_dma source(%arg18 : memref<128x128xf32, #tpu.memory_space<vmem>>) target(%dma_start3A_145 : memref<5376x128xf32, #tpu.memory_space<vmem_shared>>) offsets(%arg17 : memref<128xi32, #tpu.memory_space<vmem>>) semaphore(%run_scoped3A : memref<!tpu.dma_semaphore, #tpu.memory_space<semaphore_mem>>) {add = true}
        %dma_wait3A_146 = arith.constant 0 : i32
        %dma_wait3A_147 = arith.constant 0 : i32
        %dma_wait3A_148 = tpu.memref_slice %arg20[%dma_wait3A_146, %dma_wait3A_147] : memref<5376x128xf32, #tpu.memory_space<vmem_shared>> -> memref<5376x128xf32, #tpu.memory_space<vmem_shared>>
        tpu.wait_indirect_dma semaphore(%run_scoped3A : memref<!tpu.dma_semaphore, #tpu.memory_space<semaphore_mem>>) src(%arg18 : memref<128x128xf32, #tpu.memory_space<vmem>>) dst(%dma_wait3A_148 : memref<5376x128xf32, #tpu.memory_space<vmem_shared>>)
        tpu.yield
      }) : () -> ()
    }
    %scan3A_98 = arith.constant 80 : i32
    %add3A_99 = arith.constant 0 : i32
    %add3A_100 = arith.addi %mul3A_88, %add3A_99 : i32
    %dma_wait3A_101 = tpu.memref_slice %arg7[%add3A_100] : memref<655360xi32, #tpu.memory_space<hbm>> -> memref<128xi32, #tpu.memory_space<hbm>>
    %dma_wait3A_102 = tpu.memref_slice %arg7[%add3A_100] : memref<655360xi32, #tpu.memory_space<hbm>> -> memref<128xi32, #tpu.memory_space<hbm>>
    tpu.wait_dma2 semaphore(%arg23 : memref<!tpu.dma_semaphore, #tpu.memory_space<semaphore_mem>>) src(%dma_wait3A_102 : memref<128xi32, #tpu.memory_space<hbm>>) dst(%arg16 : memref<128xi32, #tpu.memory_space<vmem>>)
    %barrier3A_103 = arith.constant 0 : index
    tpu.barrier barrier_id(%barrier3A_103)
    %mul3A_104 = arith.constant 320 : i32
    %mul3A_105 = arith.muli %arg1, %mul3A_104 : i32
    %mul3A_106 = arith.constant 320 : i32
    %mul3A_107 = arith.muli %arg1, %mul3A_106 : i32
    %add3A_108 = arith.addi %mul3A_0, %mul3A_107 : i32
    "tpu.region"() ({
      %run_scoped3A = tpu.sem_alloc : memref<!tpu.dma_semaphore, #tpu.memory_space<semaphore_mem>>
      %dma_start3A_111 = arith.constant 0 : i32
      %dma_start3A_112 = tpu.memref_slice %arg13[%add3A_108, %dma_start3A_111] : memref<10240x128xf32, #tpu.memory_space<hbm>> -> memref<320x128xf32, #tpu.memory_space<hbm>>
      %dma_start3A_113 = arith.constant 0 : i32
      %dma_start3A_114 = tpu.memref_slice %arg20[%mul3A_105, %dma_start3A_113] : memref<5376x128xf32, #tpu.memory_space<vmem_shared>> -> memref<320x128xf32, #tpu.memory_space<vmem_shared>>
      tpu.enqueue_dma source(%dma_start3A_114 : memref<320x128xf32, #tpu.memory_space<vmem_shared>>) target(%dma_start3A_112 : memref<320x128xf32, #tpu.memory_space<hbm>>) target_semaphore(%run_scoped3A : memref<!tpu.dma_semaphore, #tpu.memory_space<semaphore_mem>>)
      %dma_wait3A_115 = arith.constant 0 : i32
      %dma_wait3A_116 = tpu.memref_slice %arg13[%add3A_108, %dma_wait3A_115] : memref<10240x128xf32, #tpu.memory_space<hbm>> -> memref<320x128xf32, #tpu.memory_space<hbm>>
      %dma_wait3A_117 = arith.constant 0 : i32
      %dma_wait3A_118 = tpu.memref_slice %arg20[%mul3A_105, %dma_wait3A_117] : memref<5376x128xf32, #tpu.memory_space<vmem_shared>> -> memref<320x128xf32, #tpu.memory_space<vmem_shared>>
      tpu.wait_dma2 semaphore(%run_scoped3A : memref<!tpu.dma_semaphore, #tpu.memory_space<semaphore_mem>>) src(%dma_wait3A_118 : memref<320x128xf32, #tpu.memory_space<vmem_shared>>) dst(%dma_wait3A_116 : memref<320x128xf32, #tpu.memory_space<hbm>>)
      tpu.yield
    }) : () -> ()
    %barrier3A_109 = arith.constant 0 : index
    tpu.barrier barrier_id(%barrier3A_109)
    "tpu.region"() ({
      %run_scoped3A = tpu.sem_alloc : memref<!tpu.dma_semaphore, #tpu.memory_space<semaphore_mem>>
      %dma_start3A_111 = arith.constant 0 : i32
      %dma_start3A_112 = tpu.memref_slice %arg20[%mul3A_2, %dma_start3A_111] : memref<5376x128xf32, #tpu.memory_space<vmem_shared>> -> memref<336x128xf32, #tpu.memory_space<vmem_shared>>
      %dma_start3A_113 = arith.constant 0 : i32
      %dma_start3A_114 = tpu.memref_slice %arg8[%mul3A_2, %dma_start3A_113] : memref<5376x128xf32, #tpu.memory_space<hbm>> -> memref<336x128xf32, #tpu.memory_space<hbm>>
      tpu.enqueue_dma source(%dma_start3A_114 : memref<336x128xf32, #tpu.memory_space<hbm>>) target(%dma_start3A_112 : memref<336x128xf32, #tpu.memory_space<vmem_shared>>) target_semaphore(%run_scoped3A : memref<!tpu.dma_semaphore, #tpu.memory_space<semaphore_mem>>)
      %dma_wait3A_115 = arith.constant 0 : i32
      %dma_wait3A_116 = tpu.memref_slice %arg20[%mul3A_2, %dma_wait3A_115] : memref<5376x128xf32, #tpu.memory_space<vmem_shared>> -> memref<336x128xf32, #tpu.memory_space<vmem_shared>>
      %dma_wait3A_117 = arith.constant 0 : i32
      %dma_wait3A_118 = tpu.memref_slice %arg8[%mul3A_2, %dma_wait3A_117] : memref<5376x128xf32, #tpu.memory_space<hbm>> -> memref<336x128xf32, #tpu.memory_space<hbm>>
      tpu.wait_dma2 semaphore(%run_scoped3A : memref<!tpu.dma_semaphore, #tpu.memory_space<semaphore_mem>>) src(%dma_wait3A_118 : memref<336x128xf32, #tpu.memory_space<hbm>>) dst(%dma_wait3A_116 : memref<336x128xf32, #tpu.memory_space<vmem_shared>>)
      tpu.yield
    }) : () -> ()
    %barrier3A_110 = arith.constant 0 : index
    tpu.barrier barrier_id(%barrier3A_110)
    return
  }
}

module attributes {stable_mosaic.version = 14 : i64} {
  func.func @_remap_body(%arg0: memref<640x512xi32, #tpu.memory_space<vmem>>, %arg1: memref<640x512xi32, #tpu.memory_space<vmem>>, %arg2: memref<4x640x512xi32, #tpu.memory_space<vmem>>) attributes {dimension_semantics = [], scalar_prefetch = 0 : i64, scratch_operands = 0 : i64, tpu.core_type = #tpu.core_type<tc>} {
    %get3A = arith.constant 0 : index
    %get3A_0 = arith.constant 0 : index
    %get3A_1 = vector.load %arg0[%get3A, %get3A_0] : memref<640x512xi32, #tpu.memory_space<vmem>>, vector<640x512xi32>
    %get3A_2 = arith.constant 0 : index
    %get3A_3 = arith.constant 0 : index
    %get3A_4 = vector.load %arg1[%get3A_2, %get3A_3] : memref<640x512xi32, #tpu.memory_space<vmem>>, vector<640x512xi32>
    %ge3A = arith.constant 0 : i32
    %ge3A_5 = vector.broadcast %ge3A : i32 to vector<640x512xi32>
    %ge3A_6 = arith.cmpi sge, %get3A_1, %ge3A_5 : vector<640x512xi32>
    %lt3A = arith.constant 5120 : i32
    %lt3A_7 = vector.broadcast %lt3A : i32 to vector<640x512xi32>
    %lt3A_8 = arith.cmpi slt, %get3A_1, %lt3A_7 : vector<640x512xi32>
    %and3A = arith.andi %ge3A_6, %lt3A_8 : vector<640x512xi1>
    %sub3A = arith.constant 0 : i32
    %sub3A_9 = vector.broadcast %sub3A : i32 to vector<640x512xi32>
    %sub3A_10 = arith.subi %get3A_1, %sub3A_9 : vector<640x512xi32>
    %and3A_11 = arith.constant 255 : i32
    %and3A_12 = vector.broadcast %and3A_11 : i32 to vector<640x512xi32>
    %and3A_13 = arith.andi %get3A_1, %and3A_12 : vector<640x512xi32>
    %add3A = arith.constant 5120 : i32
    %add3A_14 = vector.broadcast %add3A : i32 to vector<640x512xi32>
    %add3A_15 = arith.addi %add3A_14, %and3A_13 : vector<640x512xi32>
    %select_n3A = arith.select %and3A, %sub3A_10, %add3A_15 : vector<640x512xi1>, vector<640x512xi32>
    %ge3A_16 = arith.constant 5120 : i32
    %ge3A_17 = vector.broadcast %ge3A_16 : i32 to vector<640x512xi32>
    %ge3A_18 = arith.cmpi sge, %get3A_1, %ge3A_17 : vector<640x512xi32>
    %lt3A_19 = arith.constant 10240 : i32
    %lt3A_20 = vector.broadcast %lt3A_19 : i32 to vector<640x512xi32>
    %lt3A_21 = arith.cmpi slt, %get3A_1, %lt3A_20 : vector<640x512xi32>
    %and3A_22 = arith.andi %ge3A_18, %lt3A_21 : vector<640x512xi1>
    %sub3A_23 = arith.constant 5120 : i32
    %sub3A_24 = vector.broadcast %sub3A_23 : i32 to vector<640x512xi32>
    %sub3A_25 = arith.subi %get3A_1, %sub3A_24 : vector<640x512xi32>
    %and3A_26 = arith.constant 255 : i32
    %and3A_27 = vector.broadcast %and3A_26 : i32 to vector<640x512xi32>
    %and3A_28 = arith.andi %get3A_1, %and3A_27 : vector<640x512xi32>
    %add3A_29 = arith.constant 5120 : i32
    %add3A_30 = vector.broadcast %add3A_29 : i32 to vector<640x512xi32>
    %add3A_31 = arith.addi %add3A_30, %and3A_28 : vector<640x512xi32>
    %select_n3A_32 = arith.select %and3A_22, %sub3A_25, %add3A_31 : vector<640x512xi1>, vector<640x512xi32>
    %ge3A_33 = arith.constant 0 : i32
    %ge3A_34 = vector.broadcast %ge3A_33 : i32 to vector<640x512xi32>
    %ge3A_35 = arith.cmpi sge, %get3A_4, %ge3A_34 : vector<640x512xi32>
    %lt3A_36 = arith.constant 5120 : i32
    %lt3A_37 = vector.broadcast %lt3A_36 : i32 to vector<640x512xi32>
    %lt3A_38 = arith.cmpi slt, %get3A_4, %lt3A_37 : vector<640x512xi32>
    %and3A_39 = arith.andi %ge3A_35, %lt3A_38 : vector<640x512xi1>
    %sub3A_40 = arith.constant 0 : i32
    %sub3A_41 = vector.broadcast %sub3A_40 : i32 to vector<640x512xi32>
    %sub3A_42 = arith.subi %get3A_4, %sub3A_41 : vector<640x512xi32>
    %and3A_43 = arith.constant 255 : i32
    %and3A_44 = vector.broadcast %and3A_43 : i32 to vector<640x512xi32>
    %and3A_45 = arith.andi %get3A_4, %and3A_44 : vector<640x512xi32>
    %add3A_46 = arith.constant 5120 : i32
    %add3A_47 = vector.broadcast %add3A_46 : i32 to vector<640x512xi32>
    %add3A_48 = arith.addi %add3A_47, %and3A_45 : vector<640x512xi32>
    %select_n3A_49 = arith.select %and3A_39, %sub3A_42, %add3A_48 : vector<640x512xi1>, vector<640x512xi32>
    %ge3A_50 = arith.constant 5120 : i32
    %ge3A_51 = vector.broadcast %ge3A_50 : i32 to vector<640x512xi32>
    %ge3A_52 = arith.cmpi sge, %get3A_4, %ge3A_51 : vector<640x512xi32>
    %lt3A_53 = arith.constant 10240 : i32
    %lt3A_54 = vector.broadcast %lt3A_53 : i32 to vector<640x512xi32>
    %lt3A_55 = arith.cmpi slt, %get3A_4, %lt3A_54 : vector<640x512xi32>
    %and3A_56 = arith.andi %ge3A_52, %lt3A_55 : vector<640x512xi1>
    %sub3A_57 = arith.constant 5120 : i32
    %sub3A_58 = vector.broadcast %sub3A_57 : i32 to vector<640x512xi32>
    %sub3A_59 = arith.subi %get3A_4, %sub3A_58 : vector<640x512xi32>
    %and3A_60 = arith.constant 255 : i32
    %and3A_61 = vector.broadcast %and3A_60 : i32 to vector<640x512xi32>
    %and3A_62 = arith.andi %get3A_4, %and3A_61 : vector<640x512xi32>
    %add3A_63 = arith.constant 5120 : i32
    %add3A_64 = vector.broadcast %add3A_63 : i32 to vector<640x512xi32>
    %add3A_65 = arith.addi %add3A_64, %and3A_62 : vector<640x512xi32>
    %select_n3A_66 = arith.select %and3A_56, %sub3A_59, %add3A_65 : vector<640x512xi1>, vector<640x512xi32>
    %stack3A = vector.shape_cast %select_n3A : vector<640x512xi32> to vector<1x640x512xi32>
    %stack3A_67 = vector.shape_cast %select_n3A_32 : vector<640x512xi32> to vector<1x640x512xi32>
    %stack3A_68 = vector.shape_cast %select_n3A_49 : vector<640x512xi32> to vector<1x640x512xi32>
    %stack3A_69 = vector.shape_cast %select_n3A_66 : vector<640x512xi32> to vector<1x640x512xi32>
    %stack3A_70 = tpu.concatenate %stack3A, %stack3A_67, %stack3A_68, %stack3A_69 in 0 : vector<1x640x512xi32>, vector<1x640x512xi32>, vector<1x640x512xi32>, vector<1x640x512xi32> -> vector<4x640x512xi32>
    %swap3A = arith.constant 0 : index
    %swap3A_71 = arith.constant 0 : index
    %swap3A_72 = arith.constant 0 : index
    %swap3A_73 = vector.load %arg2[%swap3A, %swap3A_71, %swap3A_72] : memref<4x640x512xi32, #tpu.memory_space<vmem>>, vector<4x640x512xi32>
    tpu.vector_store %arg2[%swap3A, %swap3A_71, %swap3A_72], %stack3A_70 {strides = array<i32>} : memref<4x640x512xi32, #tpu.memory_space<vmem>>, vector<4x640x512xi32>,
    return
  }
}

module attributes {stable_mosaic.version = 14 : i64} {
  func.func @_embed_body(%arg0: i32, %arg1: memref<1000x128xf32, #tpu.memory_space<vmem>>, %arg2: memref<1000x128xf32, #tpu.memory_space<vmem>>, %arg3: memref<128x128xf32, #tpu.memory_space<vmem>>, %arg4: memref<1x128xf32, #tpu.memory_space<vmem>>, %arg5: memref<128x128xf32, #tpu.memory_space<vmem>>, %arg6: memref<1x128xf32, #tpu.memory_space<vmem>>, %arg7: memref<1000x128xf32, #tpu.memory_space<vmem>>, %arg8: memref<1000x128xf32, #tpu.memory_space<vmem>>) attributes {dimension_semantics = [#tpu.dimension_semantics<arbitrary>], iteration_bounds = array<i64: 10>, scalar_prefetch = 0 : i64, scratch_operands = 0 : i64, tpu.core_type = #tpu.core_type<tc>, window_params = [{transform_indices = @transform_0, window_bounds = array<i64: 1000, 128>}, {transform_indices = @transform_1, window_bounds = array<i64: 1000, 128>}, {pipeline_mode = #tpu.pipeline_mode<synchronous>, transform_indices = @transform_2, window_bounds = array<i64: 128, 128>}, {pipeline_mode = #tpu.pipeline_mode<synchronous>, transform_indices = @transform_3, window_bounds = array<i64: 1, 128>}, {pipeline_mode = #tpu.pipeline_mode<synchronous>, transform_indices = @transform_4, window_bounds = array<i64: 128, 128>}, {pipeline_mode = #tpu.pipeline_mode<synchronous>, transform_indices = @transform_5, window_bounds = array<i64: 1, 128>}, {transform_indices = @transform_6, window_bounds = array<i64: 1000, 128>}, {transform_indices = @transform_7, window_bounds = array<i64: 1000, 128>}]} {
    %get3A = arith.constant 0 : index
    %get3A_0 = arith.constant 0 : index
    %get3A_1 = vector.load %arg1[%get3A, %get3A_0] : memref<1000x128xf32, #tpu.memory_space<vmem>>, vector<1000x128xf32>
    %get3A_2 = arith.constant 0 : index
    %get3A_3 = arith.constant 0 : index
    %get3A_4 = vector.load %arg3[%get3A_2, %get3A_3] : memref<128x128xf32, #tpu.memory_space<vmem>>, vector<128x128xf32>
    %dot_general3A = arith.constant dense<0.000000e+00> : vector<1000x128xf32>
    %dot_general3A_5 = tpu.matmul %get3A_1, %get3A_4, %dot_general3A {dimension_numbers = #tpu.dot_dimension_numbers<[1], [0], [0], [1], [0, 0, 1, 1], [], []>, transpose_lhs_hint = false} : vector<1000x128xf32>, vector<128x128xf32>, vector<1000x128xf32> -> vector<1000x128xf32>
    %get3A_6 = arith.constant 0 : index
    %get3A_7 = arith.constant 0 : index
    %get3A_8 = vector.load %arg4[%get3A_6, %get3A_7] : memref<1x128xf32, #tpu.memory_space<vmem>>, vector<1x128xf32>
    %add3A = vector.broadcast %get3A_8 : vector<1x128xf32> to vector<1000x128xf32>
    %add3A_9 = arith.addf %dot_general3A_5, %add3A : vector<1000x128xf32>
    %swap3A = arith.constant 0 : index
    %swap3A_10 = arith.constant 0 : index
    %swap3A_11 = vector.load %arg7[%swap3A, %swap3A_10] : memref<1000x128xf32, #tpu.memory_space<vmem>>, vector<1000x128xf32>
    tpu.vector_store %arg7[%swap3A, %swap3A_10], %add3A_9 {strides = array<i32>} : memref<1000x128xf32, #tpu.memory_space<vmem>>, vector<1000x128xf32>,
    %get3A_12 = arith.constant 0 : index
    %get3A_13 = arith.constant 0 : index
    %get3A_14 = vector.load %arg2[%get3A_12, %get3A_13] : memref<1000x128xf32, #tpu.memory_space<vmem>>, vector<1000x128xf32>
    %get3A_15 = arith.constant 0 : index
    %get3A_16 = arith.constant 0 : index
    %get3A_17 = vector.load %arg5[%get3A_15, %get3A_16] : memref<128x128xf32, #tpu.memory_space<vmem>>, vector<128x128xf32>
    %dot_general3A_18 = arith.constant dense<0.000000e+00> : vector<1000x128xf32>
    %dot_general3A_19 = tpu.matmul %get3A_14, %get3A_17, %dot_general3A_18 {dimension_numbers = #tpu.dot_dimension_numbers<[1], [0], [0], [1], [0, 0, 1, 1], [], []>, transpose_lhs_hint = false} : vector<1000x128xf32>, vector<128x128xf32>, vector<1000x128xf32> -> vector<1000x128xf32>
    %get3A_20 = arith.constant 0 : index
    %get3A_21 = arith.constant 0 : index
    %get3A_22 = vector.load %arg6[%get3A_20, %get3A_21] : memref<1x128xf32, #tpu.memory_space<vmem>>, vector<1x128xf32>
    %add3A_23 = vector.broadcast %get3A_22 : vector<1x128xf32> to vector<1000x128xf32>
    %add3A_24 = arith.addf %dot_general3A_19, %add3A_23 : vector<1000x128xf32>
    %swap3A_25 = arith.constant 0 : index
    %swap3A_26 = arith.constant 0 : index
    %swap3A_27 = vector.load %arg8[%swap3A_25, %swap3A_26] : memref<1000x128xf32, #tpu.memory_space<vmem>>, vector<1000x128xf32>
    tpu.vector_store %arg8[%swap3A_25, %swap3A_26], %add3A_24 {strides = array<i32>} : memref<1000x128xf32, #tpu.memory_space<vmem>>, vector<1000x128xf32>,
    return
  }
  func.func @transform_0(%arg0: i32) -> (i32, i32) {
    %c0_i32 = arith.constant 0 : i32
    %c0_i32_0 = arith.constant 0 : i32
    return %arg0, %c0_i32 : i32, i32
  }
  func.func @transform_1(%arg0: i32) -> (i32, i32) {
    %c0_i32 = arith.constant 0 : i32
    %c0_i32_0 = arith.constant 0 : i32
    return %arg0, %c0_i32 : i32, i32
  }
  func.func @transform_2(%arg0: i32) -> (i32, i32) {
    %c0_i32 = arith.constant 0 : i32
    %c0_i32_0 = arith.constant 0 : i32
    %c0_i32_1 = arith.constant 0 : i32
    return %c0_i32, %c0_i32_0 : i32, i32
  }
  func.func @transform_3(%arg0: i32) -> (i32, i32) {
    %c0_i32 = arith.constant 0 : i32
    %c0_i32_0 = arith.constant 0 : i32
    %c0_i32_1 = arith.constant 0 : i32
    return %c0_i32, %c0_i32_0 : i32, i32
  }
  func.func @transform_4(%arg0: i32) -> (i32, i32) {
    %c0_i32 = arith.constant 0 : i32
    %c0_i32_0 = arith.constant 0 : i32
    %c0_i32_1 = arith.constant 0 : i32
    return %c0_i32, %c0_i32_0 : i32, i32
  }
  func.func @transform_5(%arg0: i32) -> (i32, i32) {
    %c0_i32 = arith.constant 0 : i32
    %c0_i32_0 = arith.constant 0 : i32
    %c0_i32_1 = arith.constant 0 : i32
    return %c0_i32, %c0_i32_0 : i32, i32
  }
  func.func @transform_6(%arg0: i32) -> (i32, i32) {
    %c0_i32 = arith.constant 0 : i32
    %c0_i32_0 = arith.constant 0 : i32
    return %arg0, %c0_i32 : i32, i32
  }
  func.func @transform_7(%arg0: i32) -> (i32, i32) {
    %c0_i32 = arith.constant 0 : i32
    %c0_i32_0 = arith.constant 0 : i32
    return %arg0, %c0_i32 : i32, i32
  }
}

module attributes {stable_mosaic.version = 14 : i64} {
  func.func @_combine_body(%arg0: i32, %arg1: memref<1000x128xf32, #tpu.memory_space<vmem>>, %arg2: memref<1000x128xf32, #tpu.memory_space<vmem>>, %arg3: memref<1000x128xf32, #tpu.memory_space<vmem>>, %arg4: memref<1000x1xi32, #tpu.memory_space<vmem>>, %arg5: memref<1000x128xf32, #tpu.memory_space<vmem>>, %arg6: memref<1000x128xf32, #tpu.memory_space<vmem>>, %arg7: memref<1000x128xf32, #tpu.memory_space<vmem>>, %arg8: memref<1000x1xi32, #tpu.memory_space<vmem>>, %arg9: memref<128x128xf32, #tpu.memory_space<vmem>>, %arg10: memref<1x128xf32, #tpu.memory_space<vmem>>, %arg11: memref<128x128xf32, #tpu.memory_space<vmem>>, %arg12: memref<128x128xf32, #tpu.memory_space<vmem>>, %arg13: memref<1x128xf32, #tpu.memory_space<vmem>>, %arg14: memref<128x128xf32, #tpu.memory_space<vmem>>, %arg15: memref<128x128xf32, #tpu.memory_space<vmem>>, %arg16: memref<1x128xf32, #tpu.memory_space<vmem>>, %arg17: memref<256x128xf32, #tpu.memory_space<vmem>>, %arg18: memref<256x128xf32, #tpu.memory_space<vmem>>, %arg19: memref<256x128xf32, #tpu.memory_space<vmem>>, %arg20: memref<256x128xf32, #tpu.memory_space<vmem>>, %arg21: memref<256x128xf32, #tpu.memory_space<vmem>>) attributes {dimension_semantics = [#tpu.dimension_semantics<arbitrary>], iteration_bounds = array<i64: 10>, scalar_prefetch = 0 : i64, scratch_operands = 4 : i64, tpu.core_type = #tpu.core_type<tc>, window_params = [{transform_indices = @transform_0, window_bounds = array<i64: 1000, 128>}, {transform_indices = @transform_1, window_bounds = array<i64: 1000, 128>}, {transform_indices = @transform_2, window_bounds = array<i64: 1000, 128>}, {transform_indices = @transform_3, window_bounds = array<i64: 1000, 1>}, {transform_indices = @transform_4, window_bounds = array<i64: 1000, 128>}, {transform_indices = @transform_5, window_bounds = array<i64: 1000, 128>}, {transform_indices = @transform_6, window_bounds = array<i64: 1000, 128>}, {transform_indices = @transform_7, window_bounds = array<i64: 1000, 1>}, {pipeline_mode = #tpu.pipeline_mode<synchronous>, transform_indices = @transform_8, window_bounds = array<i64: 128, 128>}, {pipeline_mode = #tpu.pipeline_mode<synchronous>, transform_indices = @transform_9, window_bounds = array<i64: 1, 128>}, {pipeline_mode = #tpu.pipeline_mode<synchronous>, transform_indices = @transform_10, window_bounds = array<i64: 128, 128>}, {pipeline_mode = #tpu.pipeline_mode<synchronous>, transform_indices = @transform_11, window_bounds = array<i64: 128, 128>}, {pipeline_mode = #tpu.pipeline_mode<synchronous>, transform_indices = @transform_12, window_bounds = array<i64: 1, 128>}, {pipeline_mode = #tpu.pipeline_mode<synchronous>, transform_indices = @transform_13, window_bounds = array<i64: 128, 128>}, {pipeline_mode = #tpu.pipeline_mode<synchronous>, transform_indices = @transform_14, window_bounds = array<i64: 128, 128>}, {pipeline_mode = #tpu.pipeline_mode<synchronous>, transform_indices = @transform_15, window_bounds = array<i64: 1, 128>}, {pipeline_mode = #tpu.pipeline_mode<synchronous>, transform_indices = @transform_16, window_bounds = array<i64: 256, 128>}]} {
    %eq3A = arith.constant 0 : i32
    %eq3A_0 = arith.cmpi eq, %arg0, %eq3A : i32
    %convert_element_type3A = arith.extui %eq3A_0 : i1 to i32
    %cond3A = arith.constant 0 : i32
    %cond3A_1 = arith.cmpi ne, %convert_element_type3A, %cond3A : i32
    scf.if %cond3A_1 {
      %broadcast_in_dim3A_119 = arith.constant 0.000000e+00 : f32
      %broadcast_in_dim3A_120 = vector.broadcast %broadcast_in_dim3A_119 : f32 to vector<256x128xf32>
      %swap3A_121 = arith.constant 0 : index
      %swap3A_122 = arith.constant 0 : index
      %swap3A_123 = vector.load %arg18[%swap3A_121, %swap3A_122] : memref<256x128xf32, #tpu.memory_space<vmem>>, vector<256x128xf32>
      tpu.vector_store %arg18[%swap3A_121, %swap3A_122], %broadcast_in_dim3A_120 {strides = array<i32>} : memref<256x128xf32, #tpu.memory_space<vmem>>, vector<256x128xf32>,
      %broadcast_in_dim3A_124 = arith.constant 0.000000e+00 : f32
      %broadcast_in_dim3A_125 = vector.broadcast %broadcast_in_dim3A_124 : f32 to vector<256x128xf32>
      %swap3A_126 = arith.constant 0 : index
      %swap3A_127 = arith.constant 0 : index
      %swap3A_128 = vector.load %arg19[%swap3A_126, %swap3A_127] : memref<256x128xf32, #tpu.memory_space<vmem>>, vector<256x128xf32>
      tpu.vector_store %arg19[%swap3A_126, %swap3A_127], %broadcast_in_dim3A_125 {strides = array<i32>} : memref<256x128xf32, #tpu.memory_space<vmem>>, vector<256x128xf32>,
      %broadcast_in_dim3A_129 = arith.constant 0.000000e+00 : f32
      %broadcast_in_dim3A_130 = vector.broadcast %broadcast_in_dim3A_129 : f32 to vector<256x128xf32>
      %swap3A_131 = arith.constant 0 : index
      %swap3A_132 = arith.constant 0 : index
      %swap3A_133 = vector.load %arg20[%swap3A_131, %swap3A_132] : memref<256x128xf32, #tpu.memory_space<vmem>>, vector<256x128xf32>
      tpu.vector_store %arg20[%swap3A_131, %swap3A_132], %broadcast_in_dim3A_130 {strides = array<i32>} : memref<256x128xf32, #tpu.memory_space<vmem>>, vector<256x128xf32>,
      %broadcast_in_dim3A_134 = arith.constant 0.000000e+00 : f32
      %broadcast_in_dim3A_135 = vector.broadcast %broadcast_in_dim3A_134 : f32 to vector<256x128xf32>
      %swap3A_136 = arith.constant 0 : index
      %swap3A_137 = arith.constant 0 : index
      %swap3A_138 = vector.load %arg21[%swap3A_136, %swap3A_137] : memref<256x128xf32, #tpu.memory_space<vmem>>, vector<256x128xf32>
      tpu.vector_store %arg21[%swap3A_136, %swap3A_137], %broadcast_in_dim3A_135 {strides = array<i32>} : memref<256x128xf32, #tpu.memory_space<vmem>>, vector<256x128xf32>,
    } else {
    }
    %get3A = arith.constant 0 : index
    %get3A_2 = arith.constant 0 : index
    %get3A_3 = vector.load %arg1[%get3A, %get3A_2] : memref<1000x128xf32, #tpu.memory_space<vmem>>, vector<1000x128xf32>
    %get3A_4 = arith.constant 0 : index
    %get3A_5 = arith.constant 0 : index
    %get3A_6 = vector.load %arg2[%get3A_4, %get3A_5] : memref<1000x128xf32, #tpu.memory_space<vmem>>, vector<1000x128xf32>
    %slice3A = vector.extract_strided_slice %get3A_6 {offsets = [0, 0], sizes = [1000, 1], strides = [1, 1]} : vector<1000x128xf32> to vector<1000x1xf32>
    %max3A = arith.constant 1.000000e+00 : f32
    %max3A_7 = vector.broadcast %max3A : f32 to vector<1000x1xf32>
    %max3A_8 = arith.maximumf %slice3A, %max3A_7 : vector<1000x1xf32>
    %div3A = vector.broadcast %max3A_8 : vector<1000x1xf32> to vector<1000x128xf32>
    %div3A_9 = arith.divf %get3A_3, %div3A : vector<1000x128xf32>
    %get3A_10 = arith.constant 0 : index
    %get3A_11 = arith.constant 0 : index
    %get3A_12 = vector.load %arg9[%get3A_10, %get3A_11] : memref<128x128xf32, #tpu.memory_space<vmem>>, vector<128x128xf32>
    %dot_general3A = arith.constant dense<0.000000e+00> : vector<1000x128xf32>
    %dot_general3A_13 = tpu.matmul %div3A_9, %get3A_12, %dot_general3A {dimension_numbers = #tpu.dot_dimension_numbers<[1], [0], [0], [1], [0, 0, 1, 1], [], []>, transpose_lhs_hint = false} : vector<1000x128xf32>, vector<128x128xf32>, vector<1000x128xf32> -> vector<1000x128xf32>
    %get3A_14 = arith.constant 0 : index
    %get3A_15 = arith.constant 0 : index
    %get3A_16 = vector.load %arg10[%get3A_14, %get3A_15] : memref<1x128xf32, #tpu.memory_space<vmem>>, vector<1x128xf32>
    %add3A = vector.broadcast %get3A_16 : vector<1x128xf32> to vector<1000x128xf32>
    %add3A_17 = arith.addf %dot_general3A_13, %add3A : vector<1000x128xf32>
    %get3A_18 = arith.constant 0 : index
    %get3A_19 = arith.constant 0 : index
    %get3A_20 = vector.load %arg3[%get3A_18, %get3A_19] : memref<1000x128xf32, #tpu.memory_space<vmem>>, vector<1000x128xf32>
    %get3A_21 = arith.constant 0 : index
    %get3A_22 = arith.constant 0 : index
    %get3A_23 = vector.load %arg11[%get3A_21, %get3A_22] : memref<128x128xf32, #tpu.memory_space<vmem>>, vector<128x128xf32>
    %dot_general3A_24 = arith.constant dense<0.000000e+00> : vector<1000x128xf32>
    %dot_general3A_25 = tpu.matmul %get3A_20, %get3A_23, %dot_general3A_24 {dimension_numbers = #tpu.dot_dimension_numbers<[1], [0], [0], [1], [0, 0, 1, 1], [], []>, transpose_lhs_hint = false} : vector<1000x128xf32>, vector<128x128xf32>, vector<1000x128xf32> -> vector<1000x128xf32>
    %add3A_26 = arith.addf %add3A_17, %dot_general3A_25 : vector<1000x128xf32>
    %max3A_27 = arith.constant 0.000000e+00 : f32
    %max3A_28 = vector.broadcast %max3A_27 : f32 to vector<1000x128xf32>
    %max3A_29 = arith.maximumf %add3A_26, %max3A_28 : vector<1000x128xf32>
    %get3A_30 = arith.constant 0 : index
    %get3A_31 = arith.constant 0 : index
    %get3A_32 = vector.load %arg5[%get3A_30, %get3A_31] : memref<1000x128xf32, #tpu.memory_space<vmem>>, vector<1000x128xf32>
    %get3A_33 = arith.constant 0 : index
    %get3A_34 = arith.constant 0 : index
    %get3A_35 = vector.load %arg6[%get3A_33, %get3A_34] : memref<1000x128xf32, #tpu.memory_space<vmem>>, vector<1000x128xf32>
    %slice3A_36 = vector.extract_strided_slice %get3A_35 {offsets = [0, 0], sizes = [1000, 1], strides = [1, 1]} : vector<1000x128xf32> to vector<1000x1xf32>
    %max3A_37 = arith.constant 1.000000e+00 : f32
    %max3A_38 = vector.broadcast %max3A_37 : f32 to vector<1000x1xf32>
    %max3A_39 = arith.maximumf %slice3A_36, %max3A_38 : vector<1000x1xf32>
    %div3A_40 = vector.broadcast %max3A_39 : vector<1000x1xf32> to vector<1000x128xf32>
    %div3A_41 = arith.divf %get3A_32, %div3A_40 : vector<1000x128xf32>
    %get3A_42 = arith.constant 0 : index
    %get3A_43 = arith.constant 0 : index
    %get3A_44 = vector.load %arg12[%get3A_42, %get3A_43] : memref<128x128xf32, #tpu.memory_space<vmem>>, vector<128x128xf32>
    %dot_general3A_45 = arith.constant dense<0.000000e+00> : vector<1000x128xf32>
    %dot_general3A_46 = tpu.matmul %div3A_41, %get3A_44, %dot_general3A_45 {dimension_numbers = #tpu.dot_dimension_numbers<[1], [0], [0], [1], [0, 0, 1, 1], [], []>, transpose_lhs_hint = false} : vector<1000x128xf32>, vector<128x128xf32>, vector<1000x128xf32> -> vector<1000x128xf32>
    %get3A_47 = arith.constant 0 : index
    %get3A_48 = arith.constant 0 : index
    %get3A_49 = vector.load %arg13[%get3A_47, %get3A_48] : memref<1x128xf32, #tpu.memory_space<vmem>>, vector<1x128xf32>
    %add3A_50 = vector.broadcast %get3A_49 : vector<1x128xf32> to vector<1000x128xf32>
    %add3A_51 = arith.addf %dot_general3A_46, %add3A_50 : vector<1000x128xf32>
    %get3A_52 = arith.constant 0 : index
    %get3A_53 = arith.constant 0 : index
    %get3A_54 = vector.load %arg7[%get3A_52, %get3A_53] : memref<1000x128xf32, #tpu.memory_space<vmem>>, vector<1000x128xf32>
    %get3A_55 = arith.constant 0 : index
    %get3A_56 = arith.constant 0 : index
    %get3A_57 = vector.load %arg14[%get3A_55, %get3A_56] : memref<128x128xf32, #tpu.memory_space<vmem>>, vector<128x128xf32>
    %dot_general3A_58 = arith.constant dense<0.000000e+00> : vector<1000x128xf32>
    %dot_general3A_59 = tpu.matmul %get3A_54, %get3A_57, %dot_general3A_58 {dimension_numbers = #tpu.dot_dimension_numbers<[1], [0], [0], [1], [0, 0, 1, 1], [], []>, transpose_lhs_hint = false} : vector<1000x128xf32>, vector<128x128xf32>, vector<1000x128xf32> -> vector<1000x128xf32>
    %add3A_60 = arith.addf %add3A_51, %dot_general3A_59 : vector<1000x128xf32>
    %max3A_61 = arith.constant 0.000000e+00 : f32
    %max3A_62 = vector.broadcast %max3A_61 : f32 to vector<1000x128xf32>
    %max3A_63 = arith.maximumf %add3A_60, %max3A_62 : vector<1000x128xf32>
    %iota3A = tpu.iota {dimensions = array<i32: 1>} : vector<1000x256xi32>
    %get3A_64 = arith.constant 0 : index
    %get3A_65 = arith.constant 0 : index
    %get3A_66 = vector.load %arg8[%get3A_64, %get3A_65] : memref<1000x1xi32, #tpu.memory_space<vmem>>, vector<1000x1xi32>
    %eq3A_67 = vector.broadcast %get3A_66 : vector<1000x1xi32> to vector<1000x256xi32>
    %eq3A_68 = arith.cmpi eq, %eq3A_67, %iota3A : vector<1000x256xi32>
    %convert_element_type3A_69 = arith.extui %eq3A_68 : vector<1000x256xi1> to vector<1000x256xi32>
    %convert_element_type3A_70 = arith.sitofp %convert_element_type3A_69 : vector<1000x256xi32> to vector<1000x256xf32>
    %get3A_71 = arith.constant 0 : index
    %get3A_72 = arith.constant 0 : index
    %get3A_73 = vector.load %arg4[%get3A_71, %get3A_72] : memref<1000x1xi32, #tpu.memory_space<vmem>>, vector<1000x1xi32>
    %eq3A_74 = vector.broadcast %get3A_73 : vector<1000x1xi32> to vector<1000x256xi32>
    %eq3A_75 = arith.cmpi eq, %eq3A_74, %iota3A : vector<1000x256xi32>
    %convert_element_type3A_76 = arith.extui %eq3A_75 : vector<1000x256xi1> to vector<1000x256xi32>
    %convert_element_type3A_77 = arith.sitofp %convert_element_type3A_76 : vector<1000x256xi32> to vector<1000x256xf32>
    %broadcast_in_dim3A = arith.constant 1.000000e+00 : f32
    %broadcast_in_dim3A_78 = vector.broadcast %broadcast_in_dim3A : f32 to vector<1000x128xf32>
    %get3A_79 = arith.constant 0 : index
    %get3A_80 = arith.constant 0 : index
    %get3A_81 = vector.load %arg18[%get3A_79, %get3A_80] : memref<256x128xf32, #tpu.memory_space<vmem>>, vector<256x128xf32>
    %dot_general3A_82 = arith.constant dense<0.000000e+00> : vector<256x128xf32>
    %dot_general3A_83 = tpu.matmul %convert_element_type3A_70, %max3A_63, %dot_general3A_82 {dimension_numbers = #tpu.dot_dimension_numbers<[0], [0], [1], [1], [0, 1, 1, 1], [], []>, transpose_lhs_hint = false} : vector<1000x256xf32>, vector<1000x128xf32>, vector<256x128xf32> -> vector<256x128xf32>
    %add3A_84 = arith.addf %get3A_81, %dot_general3A_83 : vector<256x128xf32>
    %swap3A = arith.constant 0 : index
    %swap3A_85 = arith.constant 0 : index
    %swap3A_86 = vector.load %arg18[%swap3A, %swap3A_85] : memref<256x128xf32, #tpu.memory_space<vmem>>, vector<256x128xf32>
    tpu.vector_store %arg18[%swap3A, %swap3A_85], %add3A_84 {strides = array<i32>} : memref<256x128xf32, #tpu.memory_space<vmem>>, vector<256x128xf32>,
    %get3A_87 = arith.constant 0 : index
    %get3A_88 = arith.constant 0 : index
    %get3A_89 = vector.load %arg19[%get3A_87, %get3A_88] : memref<256x128xf32, #tpu.memory_space<vmem>>, vector<256x128xf32>
    %dot_general3A_90 = arith.constant dense<0.000000e+00> : vector<256x128xf32>
    %dot_general3A_91 = tpu.matmul %convert_element_type3A_77, %max3A_29, %dot_general3A_90 {dimension_numbers = #tpu.dot_dimension_numbers<[0], [0], [1], [1], [0, 1, 1, 1], [], []>, transpose_lhs_hint = false} : vector<1000x256xf32>, vector<1000x128xf32>, vector<256x128xf32> -> vector<256x128xf32>
    %add3A_92 = arith.addf %get3A_89, %dot_general3A_91 : vector<256x128xf32>
    %swap3A_93 = arith.constant 0 : index
    %swap3A_94 = arith.constant 0 : index
    %swap3A_95 = vector.load %arg19[%swap3A_93, %swap3A_94] : memref<256x128xf32, #tpu.memory_space<vmem>>, vector<256x128xf32>
    tpu.vector_store %arg19[%swap3A_93, %swap3A_94], %add3A_92 {strides = array<i32>} : memref<256x128xf32, #tpu.memory_space<vmem>>, vector<256x128xf32>,
    %get3A_96 = arith.constant 0 : index
    %get3A_97 = arith.constant 0 : index
    %get3A_98 = vector.load %arg20[%get3A_96, %get3A_97] : memref<256x128xf32, #tpu.memory_space<vmem>>, vector<256x128xf32>
    %dot_general3A_99 = arith.constant dense<0.000000e+00> : vector<256x128xf32>
    %dot_general3A_100 = tpu.matmul %convert_element_type3A_70, %broadcast_in_dim3A_78, %dot_general3A_99 {dimension_numbers = #tpu.dot_dimension_numbers<[0], [0], [1], [1], [0, 1, 1, 1], [], []>, transpose_lhs_hint = false} : vector<1000x256xf32>, vector<1000x128xf32>, vector<256x128xf32> -> vector<256x128xf32>
    %add3A_101 = arith.addf %get3A_98, %dot_general3A_100 : vector<256x128xf32>
    %swap3A_102 = arith.constant 0 : index
    %swap3A_103 = arith.constant 0 : index
    %swap3A_104 = vector.load %arg20[%swap3A_102, %swap3A_103] : memref<256x128xf32, #tpu.memory_space<vmem>>, vector<256x128xf32>
    tpu.vector_store %arg20[%swap3A_102, %swap3A_103], %add3A_101 {strides = array<i32>} : memref<256x128xf32, #tpu.memory_space<vmem>>, vector<256x128xf32>,
    %get3A_105 = arith.constant 0 : index
    %get3A_106 = arith.constant 0 : index
    %get3A_107 = vector.load %arg21[%get3A_105, %get3A_106] : memref<256x128xf32, #tpu.memory_space<vmem>>, vector<256x128xf32>
    %dot_general3A_108 = arith.constant dense<0.000000e+00> : vector<256x128xf32>
    %dot_general3A_109 = tpu.matmul %convert_element_type3A_77, %broadcast_in_dim3A_78, %dot_general3A_108 {dimension_numbers = #tpu.dot_dimension_numbers<[0], [0], [1], [1], [0, 1, 1, 1], [], []>, transpose_lhs_hint = false} : vector<1000x256xf32>, vector<1000x128xf32>, vector<256x128xf32> -> vector<256x128xf32>
    %add3A_110 = arith.addf %get3A_107, %dot_general3A_109 : vector<256x128xf32>
    %swap3A_111 = arith.constant 0 : index
    %swap3A_112 = arith.constant 0 : index
    %swap3A_113 = vector.load %arg21[%swap3A_111, %swap3A_112] : memref<256x128xf32, #tpu.memory_space<vmem>>, vector<256x128xf32>
    tpu.vector_store %arg21[%swap3A_111, %swap3A_112], %add3A_110 {strides = array<i32>} : memref<256x128xf32, #tpu.memory_space<vmem>>, vector<256x128xf32>,
    %eq3A_114 = arith.constant 9 : i32
    %eq3A_115 = arith.cmpi eq, %arg0, %eq3A_114 : i32
    %convert_element_type3A_116 = arith.extui %eq3A_115 : i1 to i32
    %cond3A_117 = arith.constant 0 : i32
    %cond3A_118 = arith.cmpi ne, %convert_element_type3A_116, %cond3A_117 : i32
    scf.if %cond3A_118 {
      %get3A_119 = arith.constant 0 : index
      %get3A_120 = arith.constant 0 : index
      %get3A_121 = vector.load %arg18[%get3A_119, %get3A_120] : memref<256x128xf32, #tpu.memory_space<vmem>>, vector<256x128xf32>
      %get3A_122 = arith.constant 0 : index
      %get3A_123 = arith.constant 0 : index
      %get3A_124 = vector.load %arg20[%get3A_122, %get3A_123] : memref<256x128xf32, #tpu.memory_space<vmem>>, vector<256x128xf32>
      %max3A_125 = arith.constant 1.000000e+00 : f32
      %max3A_126 = vector.broadcast %max3A_125 : f32 to vector<256x128xf32>
      %max3A_127 = arith.maximumf %get3A_124, %max3A_126 : vector<256x128xf32>
      %div3A_128 = arith.divf %get3A_121, %max3A_127 : vector<256x128xf32>
      %get3A_129 = arith.constant 0 : index
      %get3A_130 = arith.constant 0 : index
      %get3A_131 = vector.load %arg19[%get3A_129, %get3A_130] : memref<256x128xf32, #tpu.memory_space<vmem>>, vector<256x128xf32>
      %get3A_132 = arith.constant 0 : index
      %get3A_133 = arith.constant 0 : index
      %get3A_134 = vector.load %arg21[%get3A_132, %get3A_133] : memref<256x128xf32, #tpu.memory_space<vmem>>, vector<256x128xf32>
      %max3A_135 = arith.constant 1.000000e+00 : f32
      %max3A_136 = vector.broadcast %max3A_135 : f32 to vector<256x128xf32>
      %max3A_137 = arith.maximumf %get3A_134, %max3A_136 : vector<256x128xf32>
      %div3A_138 = arith.divf %get3A_131, %max3A_137 : vector<256x128xf32>
      %add3A_139 = arith.addf %div3A_128, %div3A_138 : vector<256x128xf32>
      %mul3A = arith.constant 5.000000e-01 : f32
      %mul3A_140 = vector.broadcast %mul3A : f32 to vector<256x128xf32>
      %mul3A_141 = arith.mulf %mul3A_140, %add3A_139 : vector<256x128xf32>
      %get3A_142 = arith.constant 0 : index
      %get3A_143 = arith.constant 0 : index
      %get3A_144 = vector.load %arg15[%get3A_142, %get3A_143] : memref<128x128xf32, #tpu.memory_space<vmem>>, vector<128x128xf32>
      %dot_general3A_145 = arith.constant dense<0.000000e+00> : vector<256x128xf32>
      %dot_general3A_146 = tpu.matmul %mul3A_141, %get3A_144, %dot_general3A_145 {dimension_numbers = #tpu.dot_dimension_numbers<[1], [0], [0], [1], [0, 0, 1, 1], [], []>, transpose_lhs_hint = false} : vector<256x128xf32>, vector<128x128xf32>, vector<256x128xf32> -> vector<256x128xf32>
      %get3A_147 = arith.constant 0 : index
      %get3A_148 = arith.constant 0 : index
      %get3A_149 = vector.load %arg16[%get3A_147, %get3A_148] : memref<1x128xf32, #tpu.memory_space<vmem>>, vector<1x128xf32>
      %add3A_150 = vector.broadcast %get3A_149 : vector<1x128xf32> to vector<256x128xf32>
      %add3A_151 = arith.addf %dot_general3A_146, %add3A_150 : vector<256x128xf32>
      %swap3A_152 = arith.constant 0 : index
      %swap3A_153 = arith.constant 0 : index
      %swap3A_154 = vector.load %arg17[%swap3A_152, %swap3A_153] : memref<256x128xf32, #tpu.memory_space<vmem>>, vector<256x128xf32>
      tpu.vector_store %arg17[%swap3A_152, %swap3A_153], %add3A_151 {strides = array<i32>} : memref<256x128xf32, #tpu.memory_space<vmem>>, vector<256x128xf32>,
    } else {
    }
    return
  }
  func.func @transform_0(%arg0: i32) -> (i32, i32) {
    %c0_i32 = arith.constant 0 : i32
    %c0_i32_0 = arith.constant 0 : i32
    return %arg0, %c0_i32 : i32, i32
  }
  func.func @transform_1(%arg0: i32) -> (i32, i32) {
    %c0_i32 = arith.constant 0 : i32
    %c0_i32_0 = arith.constant 0 : i32
    return %arg0, %c0_i32 : i32, i32
  }
  func.func @transform_2(%arg0: i32) -> (i32, i32) {
    %c0_i32 = arith.constant 0 : i32
    %c0_i32_0 = arith.constant 0 : i32
    return %arg0, %c0_i32 : i32, i32
  }
  func.func @transform_3(%arg0: i32) -> (i32, i32) {
    %c0_i32 = arith.constant 0 : i32
    %c0_i32_0 = arith.constant 0 : i32
    return %arg0, %c0_i32 : i32, i32
  }
  func.func @transform_4(%arg0: i32) -> (i32, i32) {
    %c0_i32 = arith.constant 0 : i32
    %c0_i32_0 = arith.constant 0 : i32
    return %arg0, %c0_i32 : i32, i32
  }
  func.func @transform_5(%arg0: i32) -> (i32, i32) {
    %c0_i32 = arith.constant 0 : i32
    %c0_i32_0 = arith.constant 0 : i32
    return %arg0, %c0_i32 : i32, i32
  }
  func.func @transform_6(%arg0: i32) -> (i32, i32) {
    %c0_i32 = arith.constant 0 : i32
    %c0_i32_0 = arith.constant 0 : i32
    return %arg0, %c0_i32 : i32, i32
  }
  func.func @transform_7(%arg0: i32) -> (i32, i32) {
    %c0_i32 = arith.constant 0 : i32
    %c0_i32_0 = arith.constant 0 : i32
    return %arg0, %c0_i32 : i32, i32
  }
  func.func @transform_8(%arg0: i32) -> (i32, i32) {
    %c0_i32 = arith.constant 0 : i32
    %c0_i32_0 = arith.constant 0 : i32
    %c0_i32_1 = arith.constant 0 : i32
    return %c0_i32, %c0_i32_0 : i32, i32
  }
  func.func @transform_9(%arg0: i32) -> (i32, i32) {
    %c0_i32 = arith.constant 0 : i32
    %c0_i32_0 = arith.constant 0 : i32
    %c0_i32_1 = arith.constant 0 : i32
    return %c0_i32, %c0_i32_0 : i32, i32
  }
  func.func @transform_10(%arg0: i32) -> (i32, i32) {
    %c0_i32 = arith.constant 0 : i32
    %c0_i32_0 = arith.constant 0 : i32
    %c0_i32_1 = arith.constant 0 : i32
    return %c0_i32, %c0_i32_0 : i32, i32
  }
  func.func @transform_11(%arg0: i32) -> (i32, i32) {
    %c0_i32 = arith.constant 0 : i32
    %c0_i32_0 = arith.constant 0 : i32
    %c0_i32_1 = arith.constant 0 : i32
    return %c0_i32, %c0_i32_0 : i32, i32
  }
  func.func @transform_12(%arg0: i32) -> (i32, i32) {
    %c0_i32 = arith.constant 0 : i32
    %c0_i32_0 = arith.constant 0 : i32
    %c0_i32_1 = arith.constant 0 : i32
    return %c0_i32, %c0_i32_0 : i32, i32
  }
  func.func @transform_13(%arg0: i32) -> (i32, i32) {
    %c0_i32 = arith.constant 0 : i32
    %c0_i32_0 = arith.constant 0 : i32
    %c0_i32_1 = arith.constant 0 : i32
    return %c0_i32, %c0_i32_0 : i32, i32
  }
  func.func @transform_14(%arg0: i32) -> (i32, i32) {
    %c0_i32 = arith.constant 0 : i32
    %c0_i32_0 = arith.constant 0 : i32
    %c0_i32_1 = arith.constant 0 : i32
    return %c0_i32, %c0_i32_0 : i32, i32
  }
  func.func @transform_15(%arg0: i32) -> (i32, i32) {
    %c0_i32 = arith.constant 0 : i32
    %c0_i32_0 = arith.constant 0 : i32
    %c0_i32_1 = arith.constant 0 : i32
    return %c0_i32, %c0_i32_0 : i32, i32
  }
  func.func @transform_16(%arg0: i32) -> (i32, i32) {
    %c0_i32 = arith.constant 0 : i32
    %c0_i32_0 = arith.constant 0 : i32
    %c0_i32_1 = arith.constant 0 : i32
    return %c0_i32, %c0_i32_0 : i32, i32
  }
}

</mosaic_0001>

<sc_bundles>
// kernel: kernel.6.cloned.1.call-start
scs
__scs_entry_jumppad:
0x0: {  	(pc) =	sbr.rel $0x88, $3  }
0x1: {  	(tag) =	ssettag $0x0;
	lr =	simm.s32 $0x1  }
0x2: {  	[smem:$0x3F8F] =	sst lr;
	_ =	strace $0xD0000000  }
0x3: {  	_ = 	snop  }
0x4: {  	_ = 	snop  }
0x5: {  	_ = 	snop  }
0x6: {  	_ = 	snop  }
0x7: {  	_ = 	snop  }
__scs_overlays_trampoline_lowered:
0x8: {  	[smem:$0x3F9E] =	sst s0  }
0x9: {  	[smem:$0x3F9F] =	sst s1  }
0xa: {  	[smem:$0x3FA0] =	sst s2  }
0xb: {  	[smem:$0x3FA1] =	sst s3  }
0xc: {  	[smem:$0x3FA2] =	sst s4  }
0xd: {  	[smem:$0x3FA3] =	sst s5  }
0xe: {  	[smem:$0x3FA4] =	sst s6  }
0xf: {  	[smem:$0x3FA5] =	sst s7  }
0x10: {  	[smem:$0x3FA6] =	sst s8  }
0x11: {  	[smem:$0x3FA7] =	sst s9;
	s0 =	simm.s32 @!p0 $0x0  }
0x12: {  	s1 =	sld [smem:$0x3F8D];
	s0 =	simm.s32 @p0 $0x1  }
0x13: {  	[smem:$0x3FA8] =	sst s0;
	s0 =	simm.s32 @!p1 $0x0  }
0x14: {  	s2 =	sld [smem:$0x3F8C];
	s0 =	simm.s32 @p1 $0x1  }
0x15: {  	[smem:$0x3FA9] =	sst s0;
	s0 =	simm.s32 @!p2 $0x0  }
0x16: {  	s3 =	sld [smem:$0x3FDB];
	s0 =	simm.s32 @p2 $0x1  }
0x17: {  	s4 =	simm.s32 $0x1BF5;
	[smem:$0x3FAB] =	sst s0  }
0x18: {  	s0 =	sld [smem:$0x3F8E];
	_ =	swait.ge [sflag:s4], $0x0  }
0x19: {  	s7 =	sld [smem:$0x3F8F]  }
0x1a: {  	s8 =	sadd.s32 $0xFFFFE003, lr  }
0x1b: {  	s9 =	sadd.s32 $0xFFFFFEF7, lr;
	s5 =	simm.s32 $0xFFFFFFFF;
	p2 =	slt.u32 s8, $0xFFFFF086  }
0x1c: {  	p1 =	slt.u32 s9, $0xF7A;
	s5 =	simm.s32 @!p2 $0x0  }
0x1d: {  	s5 =	simm.s32 @p1 $0x1;
	p0 =	seq.s32 s7, s2  }
0x1e: {  	s7 =	smul.u32 @!p0 $0xF7A, s2;
	p2 =	seq.s32 @!p0 s5, $0x0  }
0x1f: {  	s9 =	smul.u32 $0xF7A, s1;
	s8 =	simm.s32 @!p0 $0x1BF5;
	p2 =	por !p2, p0  }
0x20: {  	[sflag:s8] =	ssyncset.s32 @!p0 $0xFFFFF086;
	s6 =	sadd.s32 @!p0 s3, s7;
	s7 =	simm.s32 @!p0 $0x108  }
0x21: {  	s3 =	sadd.s32 s3, s9;
	s6 =	sadd.s32 @!p0 $0x88, s6;
	s7 =	simm.s32 @p2 $0x1082  }
0x22: {  	[simem:s7], [sflag:s8] =	dma.local @!p0 [hbm:s6], $0xF7A  }
0x23: {  	s9 =	sor.u32 $0xD0000000, s2;
	s6 =	simm.s32 $0x108;
	_ =	swait.ge @!p0 [sflag:s8], $0x0  }
0x24: {  	s3 =	sadd.s32 $0x88, s3;
	s6 =	simm.s32 @!p1 $0x1082;
	[sflag:s4] =	ssyncset.s32 $0xFFFFF086  }
0x25: {  	[simem:s6], [sflag:s4] =	dma.local [hbm:s3], $0xF7A  }
0x26: {  	[smem:$0x3F8F] =	sst s1;
	(tag) =	ssettag s2;
	_ =	strace s9  }
0x27: {  	s1 =	sld [smem:$0x3F9F]  }
0x28: {  	s2 =	sld [smem:$0x3FA0]  }
0x29: {  	s4 =	sld [smem:$0x3FA2]  }
0x2a: {  	p0 =	seq.s32 s5, $0x0;
	s5 =	sld [smem:$0x3FA3]  }
0x2b: {  	s6 =	sld [smem:$0x3FA4]  }
0x2c: {  	s7 =	sld [smem:$0x3FA5]  }
0x2d: {  	s3 =	simm.s32 $0x108;
	s8 =	sld [smem:$0x3FA6]  }
0x2e: {  	s3 =	simm.s32 @!p0 $0x1082;
	s9 =	sld [smem:$0x3FA7]  }
0x2f: {  	lr =	sadd.s32 s0, s3;
	s0 =	sld [smem:$0x3F9E]  }
0x30: {  	s3 =	sld [smem:$0x3FA1]  }
0x31: {  	[smem:$0x3FAA] =	sst s10  }
0x32: {  	s10 =	sld [smem:$0x3FA8];
	_ =	sdelay $0x3  }
0x33: {  	p0 =	seq.s32 s10, $0x1;
	s10 =	sld [smem:$0x3FAA];
	_ =	sdelay $0x3  }
0x34: {  	[smem:$0x3FAA] =	sst s10  }
0x35: {  	s10 =	sld [smem:$0x3FA9];
	_ =	sdelay $0x3  }
0x36: {  	p1 =	seq.s32 s10, $0x1;
	s10 =	sld [smem:$0x3FAA];
	_ =	sdelay $0x3  }
0x37: {  	[smem:$0x3FAA] =	sst s10  }
0x38: {  	s10 =	sld [smem:$0x3FAB]  }
0x39: {  	_ = 	snop;
	(pc) =	sbr.ind lr, $3  }
0x3a: {  	_ = 	snop  }
0x3b: {  	_ = 	snop  }
0x3c: {  	p2 =	seq.s32 s10, $0x1;
	s10 =	sld [smem:$0x3FAA]  }
0x3d: {  	_ =	shalt  }
0x3e: {  	_ =	shalt  }
0x3f: {  	_ =	shalt  }
0x40: {  	_ =	shalt  }
0x41: {  	_ =	shalt  }
0x42: {  	_ =	shalt  }
0x43: {  	_ =	shalt  }
0x44: {  	_ =	shalt  }
0x45: {  	_ =	shalt  }
0x46: {  	_ =	shalt  }
0x47: {  	_ =	shalt  }
0x48: {  	_ =	shalt  }
0x49: {  	_ =	shalt  }
0x4a: {  	_ =	shalt  }
0x4b: {  	_ =	shalt  }
0x4c: {  	_ =	shalt  }
0x4d: {  	_ =	shalt  }
0x4e: {  	_ =	shalt  }
0x4f: {  	_ =	shalt  }
0x50: {  	_ =	shalt  }
0x51: {  	_ =	shalt  }
0x52: {  	_ =	shalt  }
0x53: {  	_ =	shalt  }
0x54: {  	_ =	shalt  }
0x55: {  	_ =	shalt  }
0x56: {  	_ =	shalt  }
0x57: {  	_ =	shalt  }
0x58: {  	_ =	shalt  }
0x59: {  	_ =	shalt  }
0x5a: {  	_ =	shalt  }
0x5b: {  	_ =	shalt  }
0x5c: {  	_ =	shalt  }
0x5d: {  	_ =	shalt  }
0x5e: {  	_ =	shalt  }
0x5f: {  	_ =	shalt  }
0x60: {  	_ =	shalt  }
0x61: {  	_ =	shalt  }
0x62: {  	_ =	shalt  }
0x63: {  	_ =	shalt  }
0x64: {  	_ =	shalt  }
0x65: {  	_ =	shalt  }
0x66: {  	_ =	shalt  }
0x67: {  	_ =	shalt  }
0x68: {  	_ =	shalt  }
0x69: {  	_ =	shalt  }
0x6a: {  	_ =	shalt  }
0x6b: {  	_ =	shalt  }
0x6c: {  	_ =	shalt  }
0x6d: {  	_ =	shalt  }
0x6e: {  	_ =	shalt  }
0x6f: {  	_ =	shalt  }
0x70: {  	_ =	shalt  }
0x71: {  	_ =	shalt  }
0x72: {  	_ =	shalt  }
0x73: {  	_ =	shalt  }
0x74: {  	_ =	shalt  }
0x75: {  	_ =	shalt  }
0x76: {  	_ =	shalt  }
0x77: {  	_ =	shalt  }
0x78: {  	_ =	shalt  }
0x79: {  	_ =	shalt  }
0x7a: {  	_ =	shalt  }
0x7b: {  	_ =	shalt  }
0x7c: {  	_ =	shalt  }
0x7d: {  	_ =	shalt  }
0x7e: {  	_ =	shalt  }
0x7f: {  	_ =	shalt  }
0x80: {  	_ =	shalt  }
0x81: {  	_ =	shalt  }
0x82: {  	_ =	shalt  }
0x83: {  	_ =	shalt  }
0x84: {  	_ =	shalt  }
0x85: {  	_ =	shalt  }
0x86: {  	_ =	shalt  }
0x87: {  	_ =	shalt  }
.Lfunc_end0:
.L_simem_size_0:
called_computation_lowered:
.L_overlay_start_0:
0x88: {  	s2 =	sld [smem:$0x3FD9]  }
0x89: {  	s3 =	sld [smem:$0x3FFE];
	_ =	sdelay $0x1  }
0x8a: {  	s1 =	srdreg.scid  }
0x8b: {  	s0 =	sand.u32 $0x1, s1  }
0x8c: {  	s17 =	sshll.u32 s0, $0xA;
	s2 =	sadd.s32 s3, s2  }
0x8d: {  	s2 =	sadd.s32 s2, s17  }
0x8e: {  	[smem:$0x3FB6] =	sst s2  }
0x8f: {  	_ = 	snop  }
0x90: {  	s2 =	sld [smem:$0x3FD0];
	(tm) =	ssettm $0x1  }
0x91: {  	s18 =	sld [smem:$0x3FFB];
	_ =	sdelay $0x3  }
0x92: {  	_ =	strace s18  }
0x93: {  	s3 =	sld [smem:$0x3FFC];
	_ =	sdelay $0x3  }
0x94: {  	_ =	strace s3  }
0x95: {  	s3 =	sld [smem:$0x3FFD];
	_ =	sdelay $0x3  }
0x96: {  	_ =	strace s3  }
0x97: {  	_ =	strace $0x8FFFFFFF  }
0x98: {  	s19 =	sld [smem:$0x3FDB];
	_ =	sdelay $0x1  }
0x99: {  	s4 =	simm.s32 $_scs_section_size  }
0x9a: {  	s5 =	simm.s32 $_size__tile_overlayer_lowered;
	s6 =	simm.s32 $_tile_overlayer_lowered  }
0x9b: {  	s22 =	simm.s32 $0x1BFF;
	s21 =	sshll.u32 s6, $0x1;
	s3 =	sadd.s32 s4, s19  }
0x9c: {  	s7 =	simm.s32 $0x0;
	s20 =	sshll.u32 s5, $0x1;
	s5 =	sadd.s32 s21, s3  }
0x9d: {  	[timem:s7], [sflag:s22] =	dma.local [hbm:s5], s20  }
0x9e: {  	_ =	swait.ge [sflag:s22], s20  }
0x9f: {  	s4 =	ssub.s32 $0x0, s20;
	[sflag:s22] =	ssyncset.done $0x0  }
0xa0: {  	[sflag:s22] =	ssyncadd.s32 s4;
	_ =	sdelay $0x1  }
0xa1: {  	s23 =	simm.s32 $0x1B8B  }
0xa2: {  	_ =	swait.ge [sflag:s23], $0x1  }
0xa3: {  	[sflag:s23] =	ssyncset.done $0x0  }
0xa4: {  	s25 =	simm.s32 $0x1B8E;
	s24 =	sld [smem:$0x3FFE];
	[sflag:s23] =	ssyncadd.s32 $0xFFFFFFFF  }
0xa5: {  	s26 =	simm.s32 $execute0_lowered;
	[smem:$0x3FD2] =	sst s25  }
0xa6: {  	s5 =	sshll.u32 s26, $0x1;
	_ =	strace $0x80000046;
	[dreg:$0x1] =	wrdreg $0xFFFFFFFF  }
0xa7: {  	s28 =	simm.s32 $_size_execute0_lowered;
	s3 =	sadd.s32 s3, s5;
	[dreg:$0x0] =	wrdreg $0x0  }
0xa8: {  	s5 =	sshll.u32 s28, $0x1;
	[dreg:$0x2] =	wrdreg s3  }
0xa9: {  	[dreg:$0x3] =	wrdreg s5  }
0xaa: {  	[dreg:$0x4] =	wrdreg $0xC0  }
0xab: {  	_ =	task [dreg:s7], $0x5FFFF  }
0xac: {  	[dreg:$0x1] =	wrdreg $0xFFFFFFFF  }
0xad: {  	[dreg:$0x0] =	wrdreg $0x60  }
0xae: {  	[dreg:$0x2] =	wrdreg s24  }
0xaf: {  	[dreg:$0x3] =	wrdreg s2  }
0xb0: {  	[dreg:$0x4] =	wrdreg $0x82000  }
0xb1: {  	[dreg:$0x5] =	wrdreg $0x9  }
0xb2: {  	_ =	task.clear_ibuf [dreg:s7], $0x6FFFF;
	_ =	strace $0x90000046  }
0xb3: {  	s29 =	simm.s32 $0x9;
	_ =	strace $0x80000048  }
0xb4: {  	_ =	swait.ge [sflag:s29], $0x1  }
0xb5: {  	[sflag:s29] =	ssyncadd.s32 $0xFFFFFFFF  }
0xb6: {  	_ =	strace $0x90000048  }
0xb7: {  	_ =	sfence  }
0xb8: {  	s30 =	sld [smem:$0x0];
	_ =	sdelay $0x2  }
0xb9: {  	s31 =	sshll.u32 s1, $0xD;
	s1 =	sshrl.u32 s1, $0x2  }
0xba: {  	s3 =	sand.u32 $0x4000, s31;
	s1 =	sadd.s32 s1, s30  }
0xbb: {  	s0 =	sor.u32 s3, s0;
	s1 =	sshll.u32 s1, $0x11  }
0xbc: {  	s0 =	sor.u32 s1, s0  }
0xbd: {  	s0 =	sadd.s32 $0x8F2B, s0  }
0xbe: {  	[sflag:s0] =	ssyncadd.remote.s32 $0x1  }
0xbf: {  	_ =	sfence.sel $0xFFFF  }
0xc0: {  	[dreg:$0x0] =	wrdreg $0xFFFFFFFF;
	(pc) =	sbr.abs _section_cstart, $3  }
0xc1: {  	[dreg:$0x1] =	wrdreg $0xFFFFFFFF  }
0xc2: {  	_ =	task.clear_ibuf [dreg:s7], $0x2FFFF;
	_ =	strace $0x9FFFFFFF  }
0xc3: {  	(tm) =	ssettm $0x7FFFFFFF  }
tec
execute0_lowered:
.L_overlay_start_1:
0x0: {  	(tag) =	ssettag $0x1  }
0x1: {  	s0 =	rddreg [dreg:$0x0]  }
0x2: {  	s1 =	srdreg.scid;
	s2 =	rddreg [dreg:$0x2]  }
0x3: {  	s3 =	simm.s32 $0x0;
	s17 =	stileid.u32;
	s29 =	simm.s32 $0x1  }
0x4: {  	s30 =	simm.s32 $0x180;
	s31 =	simm.s32 $0x2;
	s5 =	smul.u32 $0x140, s17  }
0x5: {  	s1 =	sand.u32 $0x1, s1;
	[smem:$0x7FF] =	sst s3;
	s8 =	smul.u32 $0x5000, s17  }
0x6: {  	s7 =	sadd.s32 $0x2BA00, s0;
	s9 =	sadd.s32 $0x17A00, s0;
	s16 =	smul.u32 $0xA00, s17  }
0x7: {  	s10 =	sadd.s32 $0x35A00, s0;
	s11 =	sadd.s32 $0x3A00, s0;
	s23 =	smul.u32 $0x1500, s17  }
0x8: {  	s4 =	smul.u32 $0x1400, s1;
	s6 =	sshll.u32 s1, $0x4;
	s24 =	ssub.s32 $0x2, s1  }
0x9: {  	s1 =	smul.u32 $0x50000, s1;
	s6 =	sor.u32 s17, s6;
	s12 =	sshrl.u32 s24, $0x1  }
0xa: {  	s13 =	sshrl.u32 s8, $0x3;
	s6 =	smul.u32 $0x5000, s6;
	s4 =	sadd.s32 s5, s4  }
0xb: {  	s5 =	ssub.s32 s24, s12;
	s25 =	sadd.s32 s7, s13;
	s14 =	sadd.s32 s10, s13  }
0xc: {  	s13 =	sadd.s32 $0x9F0, s13;
	s1 =	sadd.s32 s8, s1;
	[dreg:$0x4] =	wrdreg s25  }
0xd: {  	s24 =	smul.u32 $0x2A000, s17;
	[dreg:$0x6] =	wrdreg s14;
	s18 =	sadd.s32 s7, s13  }
0xe: {  	s20 =	sadd.s32 s10, s13;
	s21 =	sshrl.u32 s1, $0x3;
	s22 =	sor.u32 $0x80, s1  }
0xf: {  	s1 =	sor.u32 $0x100, s1;
	s4 =	sshll.u32 s4, $0x4;
	[dreg:$0x9] =	wrdreg s18  }
0x10: {  	s25 =	smul.u32 $0x28000, s17;
	s6 =	sshrl.u32 s6, $0x3;
	[dreg:$0xc] =	wrdreg s20  }
0x11: {  	s1 =	sshrl.u32 s1, $0x3;
	s20 =	sadd.s32 s21, s11;
	s4 =	sadd.s32 s4, s0  }
0x12: {  	s26 =	sadd.s32 s9, s6;
	s15 =	sadd.s32 $0x9F0, s6;
	s13 =	sadd.s32 $0xCAE00, s4  }
0x13: {  	[dreg:$0x5] =	wrdreg s26;
	s26 =	sadd.s32 s11, s6;
	s14 =	sadd.s32 s11, s15  }
0x14: {  	s6 =	sadd.s32 $0x9E0, s6;
	s12 =	sadd.s32 s9, s15;
	[dreg:$0x8] =	wrdreg s14  }
0x15: {  	s15 =	sadd.s32 s21, s9;
	s19 =	sadd.s32 s9, s6;
	[dreg:$0xb] =	wrdreg s12  }
0x16: {  	s6 =	sadd.s32 s11, s6;
	s14 =	sadd.s32 s16, s7;
	s7 =	sshrl.u32 s22, $0x3  }
0x17: {  	s16 =	sadd.s32 s16, s10;
	s22 =	sadd.s32 s1, s11;
	s10 =	sshll.u32 s17, $0x6  }
0x18: {  	s12 =	sadd.s32 $0xF2E00, s4;
	s17 =	sadd.s32 $0x11AE00, s4;
	[dreg:$0xa] =	wrdreg s19  }
0x19: {  	[dreg:$0xd] =	wrdreg s6;
	s18 =	sadd.s32 s7, s9;
	s19 =	sadd.s32 s1, s9  }
0x1a: {  	s21 =	sadd.s32 s7, s11;
	s6 =	sadd.s32 s23, s0;
	s11 =	sadd.s32 $0xA2E00, s4  }
0x1b: {  	s1 =	sshrl.u32 s24, $0x2;
	_ =	strace $0x80000047;
	[dreg:$0x11] =	wrdreg s11  }
0x1c: {  	s23 =	sadd.s32 $0x3FA00, s0;
	s24 =	sadd.s32 $0x66C00, s0;
	[dreg:$0x12] =	wrdreg s12  }
0x1d: {  	s9 =	sshrl.u32 s25, $0x2;
	s28 =	sor.u32 $0x1C05, s10;
	[dreg:$0x13] =	wrdreg s13  }
0x1e: {  	s25 =	smax.u32 s5, $0x1;
	s10 =	simm.s32 $0x80;
	[dreg:$0x14] =	wrdreg s17  }
0x1f: {  	s8 =	sadd.s32 s1, s2;
	s6 =	sadd.s32 $0x8DE00, s6;
	[dreg:$0x15] =	wrdreg s25  }
0x20: {  	s0 =	sadd.s32 s9, s2;
	s9 =	simm.s32 $0x5;
	[dreg:$0x7] =	wrdreg s26  }
0x21: {  	s12 =	simm.s32 $0x200;
	s13 =	simm.s32 $0x4200;
	[dreg:$0xe] =	wrdreg s8  }
0x22: {  	s25 =	simm.s32 $0x100;
	s17 =	simm.s32 $0x3;
	[dreg:$0x10] =	wrdreg s0  }
0x23: {  	s1 =	simm.s32 $0x4;
	s0 =	simm.s32 $0x0;
	[dreg:$0xf] =	wrdreg s6  }
.LBB2_1:
0x24: {  	s4 =	rddreg [dreg:$0xe]  }
0x25: {  	s4 =	sshrl.u32 s4, $0x3  }
0x26: {  	[dreg:$0x16] =	wrdreg s4  }
0x27: {  	[spmem:s4], [sflag:s28] =	dma.local [hbm:s6], $0x1500  }
0x28: {  	_ =	swait.ge [sflag:s9], $0x1500  }
0x29: {  	[sflag:s9] =	ssyncset.done $0x0  }
0x2a: {  	[sflag:s9] =	ssyncadd.s32 $0xFFFFEB00  }
0x2b: {  	[bflag:$0x0] =	sbarrier.arrive $0xFFFF  }
0x2c: {  	s7 =	rddreg [dreg:$0x4]  }
0x2d: {  	[tilespmem:s3], [sflag:$0x5] =	stream.linear.gather [hbm4b:s7+s3], $0x80, $0x38;
	[tilespmem:$0x12A00] =	vst v63  }
0x2e: {  	_ =	swait.ge [sflag:s9], $0x80  }
0x2f: {  	[sflag:s9] =	ssyncset.done $0x0  }
0x30: {  	s5 =	sadd.s32 $0x0, s14;
	[sflag:s9] =	ssyncadd.s32 $0xFFFFFF80  }
0x31: {  	[tilespmem:s12], [sflag:$0x1] =	stream.indirect.gather [hbm4b:s23+s10], $0x80, s3, s10, $0xb8;
	[tilespmem:$0x12A00] =	vst v63  }
0x32: {  	s8 =	sadd.s32 $0x10, s5  }
0x33: {  	[tilespmem:s10], [sflag:$0x5] =	stream.linear.gather [hbm4b:s8+s3], $0x80, $0x38;
	[tilespmem:$0x12A00] =	vst v63  }
0x34: {  	_ =	swait.ge [sflag:s9], $0x80  }
0x35: {  	[sflag:s9] =	ssyncset.done $0x0  }
0x36: {  	[sflag:s9] =	ssyncadd.s32 $0xFFFFFF80  }
0x37: {  	[tilespmem:s13], [sflag:$0x2] =	stream.indirect.gather [hbm4b:s23+s10], $0x80, s10, s10, $0xb8;
	[tilespmem:$0x12A00] =	vst v63  }
0x38: {  	s11 =	sadd.s32 $0x0, s15  }
0x39: {  	[tilespmem:s25], [sflag:$0x5] =	stream.linear.gather [hbm4b:s11+s3], $0x80, $0x38;
	[tilespmem:$0x12A00] =	vst v63  }
0x3a: {  	_ =	swait.ge [sflag:s9], $0x80  }
0x3b: {  	[sflag:s9] =	ssyncset.done $0x0  }
0x3c: {  	[sflag:s9] =	ssyncadd.s32 $0xFFFFFF80  }
0x3d: {  	_ =	swait.ge [sflag:s29], $0x4000  }
0x3e: {  	[sflag:s29] =	ssyncset.done $0x0  }
0x3f: {  	[sflag:s29] =	ssyncadd.s32 $0xFFFFC000  }
0x40: {  	[spmem:s2] =	stream.indirect.scatter.add.f32 [tilespmem:s12], [sflag:$0x5], $0x80, s25, s10, $0xb8;
	[tilespmem:$0x12A00] =	vst v63  }
0x41: {  	_ =	swait.ge [sflag:s9], $0x4000  }
0x42: {  	[sflag:s9] =	ssyncset.done $0x0  }
0x43: {  	s5 =	sadd.s32 $0x20, s5;
	[sflag:s9] =	ssyncadd.s32 $0xFFFFC000  }
0x44: {  	[tilespmem:s3], [sflag:$0x5] =	stream.linear.gather [hbm4b:s5+s3], $0x80, $0x38;
	[tilespmem:$0x12A00] =	vst v63  }
0x45: {  	_ =	swait.ge [sflag:s9], $0x80  }
0x46: {  	[sflag:s9] =	ssyncset.done $0x0  }
0x47: {  	[sflag:s9] =	ssyncadd.s32 $0xFFFFFF80  }
0x48: {  	[tilespmem:s12], [sflag:$0x1] =	stream.indirect.gather [hbm4b:s23+s10], $0x80, s3, s10, $0xb8;
	[tilespmem:$0x12A00] =	vst v63  }
0x49: {  	s26 =	sadd.s32 $0x0, s18  }
0x4a: {  	[tilespmem:s30], [sflag:$0x5] =	stream.linear.gather [hbm4b:s26+s3], $0x80, $0x38;
	[tilespmem:$0x12A00] =	vst v63  }
0x4b: {  	_ =	swait.ge [sflag:s9], $0x80  }
0x4c: {  	[sflag:s9] =	ssyncset.done $0x0  }
0x4d: {  	[sflag:s9] =	ssyncadd.s32 $0xFFFFFF80  }
0x4e: {  	_ =	swait.ge [sflag:s31], $0x4000  }
0x4f: {  	[sflag:s31] =	ssyncset.done $0x0  }
0x50: {  	[sflag:s31] =	ssyncadd.s32 $0xFFFFC000  }
0x51: {  	[spmem:s2] =	stream.indirect.scatter.add.f32 [tilespmem:s13], [sflag:$0x5], $0x80, s30, s10, $0xb8;
	[tilespmem:$0x12A00] =	vst v63  }
0x52: {  	s7 =	sadd.s32 $0x20, s14;
	_ =	swait.ge [sflag:s9], $0x4000  }
0x53: {  	s8 =	simm.s32 $0x40;
	s5 =	simm.s32 $0x20;
	[sflag:s9] =	ssyncset.done $0x0  }
.LBB2_2:
0x54: {  	s11 =	sadd.s32 $0x10, s7  }
0x55: {  	[sflag:s9] =	ssyncadd.s32 $0xFFFFC000;
	s26 =	smov.u32 s8;
	s6 =	sadd.s32 $0x20, s8  }
0x56: {  	[tilespmem:s10], [sflag:$0x5] =	stream.linear.gather [hbm4b:s11+s3], $0x80, $0x38;
	[tilespmem:$0x12A00] =	vst v63  }
0x57: {  	p0 =	sne.s32 s8, $0x9C0;
	_ =	swait.ge [sflag:s9], $0x80  }
0x58: {  	[sflag:s9] =	ssyncset.done $0x0  }
0x59: {  	[sflag:s9] =	ssyncadd.s32 $0xFFFFFF80  }
0x5a: {  	[tilespmem:s13], [sflag:$0x2] =	stream.indirect.gather [hbm4b:s23+s10], $0x80, s10, s10, $0xb8;
	[tilespmem:$0x12A00] =	vst v63  }
0x5b: {  	s8 =	sadd.s32 s5, s15  }
0x5c: {  	[tilespmem:s25], [sflag:$0x5] =	stream.linear.gather [hbm4b:s8+s3], $0x80, $0x38;
	[tilespmem:$0x12A00] =	vst v63  }
0x5d: {  	_ =	swait.ge [sflag:s9], $0x80  }
0x5e: {  	[sflag:s9] =	ssyncset.done $0x0  }
0x5f: {  	[sflag:s9] =	ssyncadd.s32 $0xFFFFFF80  }
0x60: {  	_ =	swait.ge [sflag:s29], $0x4000  }
0x61: {  	[sflag:s29] =	ssyncset.done $0x0  }
0x62: {  	[sflag:s29] =	ssyncadd.s32 $0xFFFFC000  }
0x63: {  	[spmem:s2] =	stream.indirect.scatter.add.f32 [tilespmem:s12], [sflag:$0x5], $0x80, s25, s10, $0xb8;
	[tilespmem:$0x12A00] =	vst v63  }
0x64: {  	_ =	swait.ge [sflag:s9], $0x4000  }
0x65: {  	[sflag:s9] =	ssyncset.done $0x0  }
0x66: {  	s7 =	sadd.s32 $0x20, s7;
	[sflag:s9] =	ssyncadd.s32 $0xFFFFC000  }
0x67: {  	[tilespmem:s3], [sflag:$0x5] =	stream.linear.gather [hbm4b:s7+s3], $0x80, $0x38;
	[tilespmem:$0x12A00] =	vst v63  }
0x68: {  	_ =	swait.ge [sflag:s9], $0x80  }
0x69: {  	[sflag:s9] =	ssyncset.done $0x0  }
0x6a: {  	[sflag:s9] =	ssyncadd.s32 $0xFFFFFF80  }
0x6b: {  	[tilespmem:s12], [sflag:$0x1] =	stream.indirect.gather [hbm4b:s23+s10], $0x80, s3, s10, $0xb8;
	[tilespmem:$0x12A00] =	vst v63  }
0x6c: {  	s7 =	sadd.s32 s5, s18;
	s5 =	smov.u32 s26  }
0x6d: {  	[tilespmem:s30], [sflag:$0x5] =	stream.linear.gather [hbm4b:s7+s3], $0x80, $0x38;
	[tilespmem:$0x12A00] =	vst v63  }
0x6e: {  	_ =	swait.ge [sflag:s9], $0x80  }
0x6f: {  	[sflag:s9] =	ssyncset.done $0x0  }
0x70: {  	[sflag:s9] =	ssyncadd.s32 $0xFFFFFF80  }
0x71: {  	_ =	swait.ge [sflag:s31], $0x4000  }
.Ltmp0:
0x72: {  	[sflag:s31] =	ssyncset.done $0x0;
	(pc) =	sbr.rel @p0 .LBB2_2-.Ltmp0, $4  }
0x73: {  	[sflag:s31] =	ssyncadd.s32 $0xFFFFC000  }
0x74: {  	[spmem:s2] =	stream.indirect.scatter.add.f32 [tilespmem:s13], [sflag:$0x5], $0x80, s30, s10, $0xb8;
	[tilespmem:$0x12A00] =	vst v63  }
0x75: {  	_ =	swait.ge [sflag:s9], $0x4000  }
0x76: {  	s8 =	smov.u32 s6;
	s7 =	sadd.s32 s5, s14;
	[sflag:s9] =	ssyncset.done $0x0  }
0x77: {  	s6 =	sadd.s32 $0x10, s7;
	[sflag:s9] =	ssyncadd.s32 $0xFFFFC000  }
0x78: {  	[tilespmem:s10], [sflag:$0x5] =	stream.linear.gather [hbm4b:s6+s3], $0x80, $0x38;
	[tilespmem:$0x12A00] =	vst v63  }
0x79: {  	_ =	swait.ge [sflag:s9], $0x80  }
0x7a: {  	[sflag:s9] =	ssyncset.done $0x0  }
0x7b: {  	[sflag:s9] =	ssyncadd.s32 $0xFFFFFF80  }
0x7c: {  	[tilespmem:s13], [sflag:$0x2] =	stream.indirect.gather [hbm4b:s23+s10], $0x80, s10, s10, $0xb8;
	[tilespmem:$0x12A00] =	vst v63  }
0x7d: {  	s4 =	sadd.s32 s5, s15  }
0x7e: {  	[tilespmem:s25], [sflag:$0x5] =	stream.linear.gather [hbm4b:s4+s3], $0x80, $0x38;
	[tilespmem:$0x12A00] =	vst v63  }
0x7f: {  	_ =	swait.ge [sflag:s9], $0x80  }
0x80: {  	[sflag:s9] =	ssyncset.done $0x0  }
0x81: {  	[sflag:s9] =	ssyncadd.s32 $0xFFFFFF80  }
0x82: {  	_ =	swait.ge [sflag:s29], $0x4000  }
0x83: {  	[sflag:s29] =	ssyncset.done $0x0  }
0x84: {  	[sflag:s29] =	ssyncadd.s32 $0xFFFFC000  }
0x85: {  	[spmem:s2] =	stream.indirect.scatter.add.f32 [tilespmem:s12], [sflag:$0x5], $0x80, s25, s10, $0xb8;
	[tilespmem:$0x12A00] =	vst v63  }
0x86: {  	_ =	swait.ge [sflag:s9], $0x4000  }
0x87: {  	[sflag:s9] =	ssyncset.done $0x0  }
0x88: {  	s7 =	sadd.s32 $0x20, s7;
	[sflag:s9] =	ssyncadd.s32 $0xFFFFC000  }
0x89: {  	[tilespmem:s3], [sflag:$0x5] =	stream.linear.gather [hbm4b:s7+s3], $0x80, $0x38;
	[tilespmem:$0x12A00] =	vst v63  }
0x8a: {  	_ =	swait.ge [sflag:s9], $0x80  }
0x8b: {  	[sflag:s9] =	ssyncset.done $0x0  }
0x8c: {  	[sflag:s9] =	ssyncadd.s32 $0xFFFFFF80  }
0x8d: {  	[tilespmem:s12], [sflag:$0x1] =	stream.indirect.gather [hbm4b:s23+s10], $0x80, s3, s10, $0xb8;
	[tilespmem:$0x12A00] =	vst v63  }
0x8e: {  	s8 =	sadd.s32 s5, s18  }
0x8f: {  	[tilespmem:s30], [sflag:$0x5] =	stream.linear.gather [hbm4b:s8+s3], $0x80, $0x38;
	[tilespmem:$0x12A00] =	vst v63  }
0x90: {  	_ =	swait.ge [sflag:s9], $0x80  }
0x91: {  	[sflag:s9] =	ssyncset.done $0x0  }
0x92: {  	[sflag:s9] =	ssyncadd.s32 $0xFFFFFF80  }
0x93: {  	_ =	swait.ge [sflag:s31], $0x4000  }
0x94: {  	[sflag:s31] =	ssyncset.done $0x0  }
0x95: {  	[sflag:s31] =	ssyncadd.s32 $0xFFFFC000  }
0x96: {  	[spmem:s2] =	stream.indirect.scatter.add.f32 [tilespmem:s13], [sflag:$0x5], $0x80, s30, s10, $0xb8;
	[tilespmem:$0x12A00] =	vst v63  }
0x97: {  	_ =	swait.ge [sflag:s9], $0x4000  }
0x98: {  	[sflag:s9] =	ssyncset.done $0x0  }
0x99: {  	s6 =	simm.s32 $0x0;
	s4 =	rddreg [dreg:$0x9];
	[sflag:s9] =	ssyncadd.s32 $0xFFFFC000  }
0x9a: {  	[tilespmem:s10], [sflag:$0x5] =	stream.linear.gather [hbm4b:s4+s6], $0x80, $0x38;
	[tilespmem:$0x12A00] =	vst v63  }
0x9b: {  	_ =	swait.ge [sflag:s9], $0x80  }
0x9c: {  	[sflag:s9] =	ssyncset.done $0x0  }
0x9d: {  	[sflag:s9] =	ssyncadd.s32 $0xFFFFFF80  }
0x9e: {  	[tilespmem:s13], [sflag:$0x2] =	stream.indirect.gather [hbm4b:s23+s10], $0x80, s10, s10, $0xb8;
	[tilespmem:$0x12A00] =	vst v63  }
0x9f: {  	s11 =	rddreg [dreg:$0xa]  }
0xa0: {  	[tilespmem:s25], [sflag:$0x5] =	stream.linear.gather [hbm4b:s11+s6], $0x80, $0x38;
	[tilespmem:$0x12A00] =	vst v63  }
0xa1: {  	_ =	swait.ge [sflag:s9], $0x80  }
0xa2: {  	[sflag:s9] =	ssyncset.done $0x0  }
0xa3: {  	[sflag:s9] =	ssyncadd.s32 $0xFFFFFF80  }
0xa4: {  	_ =	swait.ge [sflag:s29], $0x4000  }
0xa5: {  	[sflag:s29] =	ssyncset.done $0x0  }
0xa6: {  	[sflag:s29] =	ssyncadd.s32 $0xFFFFC000  }
0xa7: {  	[spmem:s2] =	stream.indirect.scatter.add.f32 [tilespmem:s12], [sflag:$0x5], $0x80, s25, s10, $0xb8;
	[tilespmem:$0x12A00] =	vst v63  }
0xa8: {  	_ =	swait.ge [sflag:s9], $0x4000  }
0xa9: {  	[sflag:s9] =	ssyncset.done $0x0  }
0xaa: {  	s26 =	rddreg [dreg:$0x4];
	[sflag:s9] =	ssyncadd.s32 $0xFFFFC000  }
0xab: {  	[tilespmem:s6], [sflag:$0x5] =	stream.linear.gather [hbm4b:s26+s6], $0x80, $0x38;
	[tilespmem:$0x12A00] =	vst v63  }
0xac: {  	_ =	swait.ge [sflag:s9], $0x80  }
0xad: {  	[sflag:s9] =	ssyncset.done $0x0  }
0xae: {  	[sflag:s9] =	ssyncadd.s32 $0xFFFFFF80  }
0xaf: {  	[tilespmem:s12], [sflag:$0x1] =	stream.indirect.gather [hbm4b:s23+s10], $0x80, s6, s10, $0xb8;
	[tilespmem:$0x12A00] =	vst v63  }
0xb0: {  	s5 =	rddreg [dreg:$0xb]  }
0xb1: {  	[tilespmem:s30], [sflag:$0x5] =	stream.linear.gather [hbm4b:s5+s6], $0x80, $0x38;
	[tilespmem:$0x12A00] =	vst v63  }
0xb2: {  	_ =	swait.ge [sflag:s9], $0x80  }
0xb3: {  	[sflag:s9] =	ssyncset.done $0x0  }
0xb4: {  	[sflag:s9] =	ssyncadd.s32 $0xFFFFFF80  }
0xb5: {  	_ =	swait.ge [sflag:s31], $0x4000  }
0xb6: {  	[sflag:s31] =	ssyncset.done $0x0  }
0xb7: {  	[sflag:s31] =	ssyncadd.s32 $0xFFFFC000  }
0xb8: {  	[spmem:s2] =	stream.indirect.scatter.add.f32 [tilespmem:s13], [sflag:$0x5], $0x80, s30, s10, $0xb8;
	[tilespmem:$0x12A00] =	vst v63  }
0xb9: {  	_ =	swait.ge [sflag:s9], $0x4000  }
0xba: {  	[sflag:s9] =	ssyncset.done $0x0  }
0xbb: {  	[sflag:s9] =	ssyncadd.s32 $0xFFFFC000  }
0xbc: {  	_ =	swait.ge [sflag:s29], $0x4000  }
0xbd: {  	[sflag:s29] =	ssyncset.done $0x0  }
0xbe: {  	[sflag:s29] =	ssyncadd.s32 $0xFFFFC000  }
0xbf: {  	[bflag:$0x0] =	sbarrier.arrive $0xFFFF  }
0xc0: {  	s7 =	rddreg [dreg:$0x10]  }
0xc1: {  	s8 =	rddreg [dreg:$0x11];
	s5 =	sshrl.u32 s7, $0x3  }
0xc2: {  	[hbm:s8], [sflag:s28] =	dma.local [spmem:s5], $0x1400  }
0xc3: {  	_ =	swait.ge [sflag:s9], $0x1400  }
0xc4: {  	[sflag:s9] =	ssyncset.done $0x0  }
0xc5: {  	[sflag:s9] =	ssyncadd.s32 $0xFFFFEC00  }
0xc6: {  	[bflag:$0x0] =	sbarrier.arrive $0xFFFF  }
0xc7: {  	s11 =	rddreg [dreg:$0xf]  }
0xc8: {  	s26 =	rddreg [dreg:$0x16]  }
0xc9: {  	[spmem:s26], [sflag:s28] =	dma.local [hbm:s11], $0x1500  }
0xca: {  	_ =	swait.ge [sflag:s9], $0x1500  }
0xcb: {  	[sflag:s9] =	ssyncset.done $0x0  }
0xcc: {  	[sflag:s9] =	ssyncadd.s32 $0xFFFFEB00  }
0xcd: {  	[bflag:$0x0] =	sbarrier.arrive $0xFFFF  }
0xce: {  	s7 =	rddreg [dreg:$0x1]  }
0xcf: {  	[tilespmem:s12], [sflag:$0x5] =	stream.linear.gather [hbm4b:s7+s6], $0x4000, $0x38;
	[tilespmem:$0x12A00] =	vst v63  }
0xd0: {  	_ =	swait.ge [sflag:s9], $0x4000  }
0xd1: {  	[sflag:s9] =	ssyncset.done $0x0  }
0xd2: {  	s8 =	rddreg [dreg:$0x5];
	[sflag:s9] =	ssyncadd.s32 $0xFFFFC000  }
0xd3: {  	[tilespmem:s25], [sflag:$0x3] =	stream.linear.gather [hbm4b:s8+s6], $0x80, $0x38;
	[tilespmem:$0x12A00] =	vst v63  }
0xd4: {  	s11 =	sadd.s32 $0x0, s18  }
0xd5: {  	[tilespmem:s30], [sflag:$0x4] =	stream.linear.gather [hbm4b:s11+s3], $0x80, $0x38;
	[tilespmem:$0x12A00] =	vst v63  }
0xd6: {  	_ =	swait.ge [sflag:s17], $0x80  }
0xd7: {  	[sflag:s17] =	ssyncset.done $0x0  }
0xd8: {  	[sflag:s17] =	ssyncadd.s32 $0xFFFFFF80  }
0xd9: {  	[spmem:s2] =	stream.indirect.scatter.add.f32 [tilespmem:s12], [sflag:$0x5], $0x80, s25, s10, $0xb8;
	[tilespmem:$0x12A00] =	vst v63  }
0xda: {  	_ =	swait.ge [sflag:s9], $0x4000  }
0xdb: {  	[sflag:s9] =	ssyncset.done $0x0  }
0xdc: {  	s26 =	sadd.s32 $0x0, s19;
	[sflag:s9] =	ssyncadd.s32 $0xFFFFC000  }
0xdd: {  	[tilespmem:s25], [sflag:$0x3] =	stream.linear.gather [hbm4b:s26+s3], $0x80, $0x38;
	[tilespmem:$0x12A00] =	vst v63  }
0xde: {  	_ =	swait.ge [sflag:s1], $0x80  }
0xdf: {  	[sflag:s1] =	ssyncset.done $0x0  }
0xe0: {  	[sflag:s1] =	ssyncadd.s32 $0xFFFFFF80  }
0xe1: {  	[spmem:s2] =	stream.indirect.scatter.add.f32 [tilespmem:s12], [sflag:$0x5], $0x80, s30, s10, $0xb8;
	[tilespmem:$0x12A00] =	vst v63  }
0xe2: {  	_ =	swait.ge [sflag:s9], $0x4000  }
0xe3: {  	s7 =	simm.s32 $0x40;
	s6 =	simm.s32 $0x20;
	[sflag:s9] =	ssyncset.done $0x0  }
.LBB2_4:
0xe4: {  	s8 =	sadd.s32 s6, s18  }
0xe5: {  	[sflag:s9] =	ssyncadd.s32 $0xFFFFC000;
	s11 =	smov.u32 s7;
	s26 =	sadd.s32 $0x20, s7  }
0xe6: {  	[tilespmem:s30], [sflag:$0x4] =	stream.linear.gather [hbm4b:s8+s3], $0x80, $0x38;
	[tilespmem:$0x12A00] =	vst v63  }
0xe7: {  	p0 =	sne.s32 s7, $0x9C0;
	_ =	swait.ge [sflag:s17], $0x80  }
0xe8: {  	[sflag:s17] =	ssyncset.done $0x0  }
0xe9: {  	[sflag:s17] =	ssyncadd.s32 $0xFFFFFF80  }
0xea: {  	[spmem:s2] =	stream.indirect.scatter.add.f32 [tilespmem:s12], [sflag:$0x5], $0x80, s25, s10, $0xb8;
	[tilespmem:$0x12A00] =	vst v63  }
0xeb: {  	_ =	swait.ge [sflag:s9], $0x4000  }
0xec: {  	[sflag:s9] =	ssyncset.done $0x0  }
0xed: {  	s7 =	sadd.s32 s6, s19;
	s6 =	smov.u32 s11;
	[sflag:s9] =	ssyncadd.s32 $0xFFFFC000  }
0xee: {  	[tilespmem:s25], [sflag:$0x3] =	stream.linear.gather [hbm4b:s7+s3], $0x80, $0x38;
	[tilespmem:$0x12A00] =	vst v63  }
0xef: {  	_ =	swait.ge [sflag:s1], $0x80  }
.Ltmp1:
0xf0: {  	[sflag:s1] =	ssyncset.done $0x0;
	(pc) =	sbr.rel @p0 .LBB2_4-.Ltmp1, $4  }
0xf1: {  	[sflag:s1] =	ssyncadd.s32 $0xFFFFFF80  }
0xf2: {  	[spmem:s2] =	stream.indirect.scatter.add.f32 [tilespmem:s12], [sflag:$0x5], $0x80, s30, s10, $0xb8;
	[tilespmem:$0x12A00] =	vst v63  }
0xf3: {  	_ =	swait.ge [sflag:s9], $0x4000  }
0xf4: {  	s7 =	smov.u32 s26;
	[sflag:s9] =	ssyncset.done $0x0  }
0xf5: {  	s7 =	sadd.s32 s6, s18;
	[sflag:s9] =	ssyncadd.s32 $0xFFFFC000  }
0xf6: {  	[tilespmem:s30], [sflag:$0x4] =	stream.linear.gather [hbm4b:s7+s3], $0x80, $0x38;
	[tilespmem:$0x12A00] =	vst v63  }
0xf7: {  	_ =	swait.ge [sflag:s17], $0x80  }
0xf8: {  	[sflag:s17] =	ssyncset.done $0x0  }
0xf9: {  	[sflag:s17] =	ssyncadd.s32 $0xFFFFFF80  }
0xfa: {  	[spmem:s2] =	stream.indirect.scatter.add.f32 [tilespmem:s12], [sflag:$0x5], $0x80, s25, s10, $0xb8;
	[tilespmem:$0x12A00] =	vst v63  }
0xfb: {  	_ =	swait.ge [sflag:s9], $0x4000  }
0xfc: {  	[sflag:s9] =	ssyncset.done $0x0  }
0xfd: {  	s11 =	sadd.s32 s6, s19;
	[sflag:s9] =	ssyncadd.s32 $0xFFFFC000  }
0xfe: {  	[tilespmem:s25], [sflag:$0x3] =	stream.linear.gather [hbm4b:s11+s3], $0x80, $0x38;
	[tilespmem:$0x12A00] =	vst v63  }
0xff: {  	_ =	swait.ge [sflag:s1], $0x80  }
0x100: {  	[sflag:s1] =	ssyncset.done $0x0  }
0x101: {  	[sflag:s1] =	ssyncadd.s32 $0xFFFFFF80  }
0x102: {  	[spmem:s2] =	stream.indirect.scatter.add.f32 [tilespmem:s12], [sflag:$0x5], $0x80, s30, s10, $0xb8;
	[tilespmem:$0x12A00] =	vst v63  }
0x103: {  	_ =	swait.ge [sflag:s9], $0x4000  }
0x104: {  	[sflag:s9] =	ssyncset.done $0x0  }
0x105: {  	s6 =	simm.s32 $0x0;
	s4 =	rddreg [dreg:$0xb];
	[sflag:s9] =	ssyncadd.s32 $0xFFFFC000  }
0x106: {  	[tilespmem:s30], [sflag:$0x4] =	stream.linear.gather [hbm4b:s4+s6], $0x80, $0x38;
	[tilespmem:$0x12A00] =	vst v63  }
0x107: {  	_ =	swait.ge [sflag:s17], $0x80  }
0x108: {  	[sflag:s17] =	ssyncset.done $0x0  }
0x109: {  	[sflag:s17] =	ssyncadd.s32 $0xFFFFFF80  }
0x10a: {  	[spmem:s2] =	stream.indirect.scatter.add.f32 [tilespmem:s12], [sflag:$0x5], $0x80, s25, s10, $0xb8;
	[tilespmem:$0x12A00] =	vst v63  }
0x10b: {  	_ =	swait.ge [sflag:s9], $0x4000  }
0x10c: {  	[sflag:s9] =	ssyncset.done $0x0  }
0x10d: {  	s26 =	rddreg [dreg:$0x5];
	[sflag:s9] =	ssyncadd.s32 $0xFFFFC000  }
0x10e: {  	[tilespmem:s25], [sflag:$0x3] =	stream.linear.gather [hbm4b:s26+s6], $0x80, $0x38;
	[tilespmem:$0x12A00] =	vst v63  }
0x10f: {  	_ =	swait.ge [sflag:s1], $0x80  }
0x110: {  	[sflag:s1] =	ssyncset.done $0x0  }
0x111: {  	[sflag:s1] =	ssyncadd.s32 $0xFFFFFF80  }
0x112: {  	[spmem:s2] =	stream.indirect.scatter.add.f32 [tilespmem:s12], [sflag:$0x5], $0x80, s30, s10, $0xb8;
	[tilespmem:$0x12A00] =	vst v63  }
0x113: {  	_ =	swait.ge [sflag:s9], $0x4000  }
0x114: {  	[sflag:s9] =	ssyncset.done $0x0  }
0x115: {  	[sflag:s9] =	ssyncadd.s32 $0xFFFFC000  }
0x116: {  	_ =	swait.ge [sflag:s17], $0x80  }
0x117: {  	[sflag:s17] =	ssyncset.done $0x0  }
0x118: {  	[sflag:s17] =	ssyncadd.s32 $0xFFFFFF80  }
0x119: {  	[bflag:$0x0] =	sbarrier.arrive $0xFFFF  }
0x11a: {  	s7 =	rddreg [dreg:$0x12]  }
0x11b: {  	[hbm:s7], [sflag:s28] =	dma.local [spmem:s5], $0x1400  }
0x11c: {  	_ =	swait.ge [sflag:s9], $0x1400  }
0x11d: {  	[sflag:s9] =	ssyncset.done $0x0  }
0x11e: {  	[sflag:s9] =	ssyncadd.s32 $0xFFFFEC00  }
0x11f: {  	[bflag:$0x0] =	sbarrier.arrive $0xFFFF  }
0x120: {  	s8 =	rddreg [dreg:$0xf]  }
0x121: {  	s11 =	rddreg [dreg:$0x16]  }
0x122: {  	[spmem:s11], [sflag:s28] =	dma.local [hbm:s8], $0x1500  }
0x123: {  	_ =	swait.ge [sflag:s9], $0x1500  }
0x124: {  	[sflag:s9] =	ssyncset.done $0x0  }
0x125: {  	[sflag:s9] =	ssyncadd.s32 $0xFFFFEB00  }
0x126: {  	[bflag:$0x0] =	sbarrier.arrive $0xFFFF  }
0x127: {  	s26 =	rddreg [dreg:$0x6]  }
0x128: {  	[tilespmem:s6], [sflag:$0x5] =	stream.linear.gather [hbm4b:s26+s6], $0x80, $0x38;
	[tilespmem:$0x12A00] =	vst v63  }
0x129: {  	_ =	swait.ge [sflag:s9], $0x80  }
0x12a: {  	[sflag:s9] =	ssyncset.done $0x0  }
0x12b: {  	s4 =	sadd.s32 $0x0, s16;
	[sflag:s9] =	ssyncadd.s32 $0xFFFFFF80  }
0x12c: {  	[tilespmem:s12], [sflag:$0x1] =	stream.indirect.gather [hbm4b:s24+s10], $0x80, s6, s10, $0xb8;
	[tilespmem:$0x12A00] =	vst v63  }
0x12d: {  	s8 =	sadd.s32 $0x10, s4  }
0x12e: {  	[tilespmem:s10], [sflag:$0x5] =	stream.linear.gather [hbm4b:s8+s3], $0x80, $0x38;
	[tilespmem:$0x12A00] =	vst v63  }
0x12f: {  	_ =	swait.ge [sflag:s9], $0x80  }
0x130: {  	[sflag:s9] =	ssyncset.done $0x0  }
0x131: {  	[sflag:s9] =	ssyncadd.s32 $0xFFFFFF80  }
0x132: {  	[tilespmem:s13], [sflag:$0x2] =	stream.indirect.gather [hbm4b:s24+s10], $0x80, s10, s10, $0xb8;
	[tilespmem:$0x12A00] =	vst v63  }
0x133: {  	s11 =	sadd.s32 $0x0, s20  }
0x134: {  	[tilespmem:s25], [sflag:$0x5] =	stream.linear.gather [hbm4b:s11+s3], $0x80, $0x38;
	[tilespmem:$0x12A00] =	vst v63  }
0x135: {  	_ =	swait.ge [sflag:s9], $0x80  }
0x136: {  	[sflag:s9] =	ssyncset.done $0x0  }
0x137: {  	[sflag:s9] =	ssyncadd.s32 $0xFFFFFF80  }
0x138: {  	_ =	swait.ge [sflag:s29], $0x4000  }
0x139: {  	[sflag:s29] =	ssyncset.done $0x0  }
0x13a: {  	[sflag:s29] =	ssyncadd.s32 $0xFFFFC000  }
0x13b: {  	[spmem:s2] =	stream.indirect.scatter.add.f32 [tilespmem:s12], [sflag:$0x5], $0x80, s25, s10, $0xb8;
	[tilespmem:$0x12A00] =	vst v63  }
0x13c: {  	_ =	swait.ge [sflag:s9], $0x4000  }
0x13d: {  	[sflag:s9] =	ssyncset.done $0x0  }
0x13e: {  	s6 =	sadd.s32 $0x20, s4;
	[sflag:s9] =	ssyncadd.s32 $0xFFFFC000  }
0x13f: {  	[tilespmem:s3], [sflag:$0x5] =	stream.linear.gather [hbm4b:s6+s3], $0x80, $0x38;
	[tilespmem:$0x12A00] =	vst v63  }
0x140: {  	_ =	swait.ge [sflag:s9], $0x80  }
0x141: {  	[sflag:s9] =	ssyncset.done $0x0  }
0x142: {  	[sflag:s9] =	ssyncadd.s32 $0xFFFFFF80  }
0x143: {  	[tilespmem:s12], [sflag:$0x1] =	stream.indirect.gather [hbm4b:s24+s10], $0x80, s3, s10, $0xb8;
	[tilespmem:$0x12A00] =	vst v63  }
0x144: {  	s26 =	sadd.s32 $0x0, s21  }
0x145: {  	[tilespmem:s30], [sflag:$0x5] =	stream.linear.gather [hbm4b:s26+s3], $0x80, $0x38;
	[tilespmem:$0x12A00] =	vst v63  }
0x146: {  	_ =	swait.ge [sflag:s9], $0x80  }
0x147: {  	[sflag:s9] =	ssyncset.done $0x0  }
0x148: {  	[sflag:s9] =	ssyncadd.s32 $0xFFFFFF80  }
0x149: {  	_ =	swait.ge [sflag:s31], $0x4000  }
0x14a: {  	[sflag:s31] =	ssyncset.done $0x0  }
0x14b: {  	[sflag:s31] =	ssyncadd.s32 $0xFFFFC000  }
0x14c: {  	[spmem:s2] =	stream.indirect.scatter.add.f32 [tilespmem:s13], [sflag:$0x5], $0x80, s30, s10, $0xb8;
	[tilespmem:$0x12A00] =	vst v63  }
0x14d: {  	s7 =	simm.s32 $0x40;
	_ =	swait.ge [sflag:s9], $0x4000  }
0x14e: {  	s8 =	sadd.s32 $0x20, s16;
	s6 =	simm.s32 $0x20;
	[sflag:s9] =	ssyncset.done $0x0  }
.LBB2_6:
0x14f: {  	s26 =	sadd.s32 $0x10, s8  }
0x150: {  	[sflag:s9] =	ssyncadd.s32 $0xFFFFC000;
	s4 =	smov.u32 s7;
	s11 =	sadd.s32 $0x20, s7  }
0x151: {  	[tilespmem:s10], [sflag:$0x5] =	stream.linear.gather [hbm4b:s26+s3], $0x80, $0x38;
	[tilespmem:$0x12A00] =	vst v63  }
0x152: {  	p0 =	sne.s32 s7, $0x9C0;
	_ =	swait.ge [sflag:s9], $0x80  }
0x153: {  	[sflag:s9] =	ssyncset.done $0x0  }
0x154: {  	[sflag:s9] =	ssyncadd.s32 $0xFFFFFF80  }
0x155: {  	[tilespmem:s13], [sflag:$0x2] =	stream.indirect.gather [hbm4b:s24+s10], $0x80, s10, s10, $0xb8;
	[tilespmem:$0x12A00] =	vst v63  }
0x156: {  	s7 =	sadd.s32 s6, s20  }
0x157: {  	[tilespmem:s25], [sflag:$0x5] =	stream.linear.gather [hbm4b:s7+s3], $0x80, $0x38;
	[tilespmem:$0x12A00] =	vst v63  }
0x158: {  	_ =	swait.ge [sflag:s9], $0x80  }
0x159: {  	[sflag:s9] =	ssyncset.done $0x0  }
0x15a: {  	[sflag:s9] =	ssyncadd.s32 $0xFFFFFF80  }
0x15b: {  	_ =	swait.ge [sflag:s29], $0x4000  }
0x15c: {  	[sflag:s29] =	ssyncset.done $0x0  }
0x15d: {  	[sflag:s29] =	ssyncadd.s32 $0xFFFFC000  }
0x15e: {  	[spmem:s2] =	stream.indirect.scatter.add.f32 [tilespmem:s12], [sflag:$0x5], $0x80, s25, s10, $0xb8;
	[tilespmem:$0x12A00] =	vst v63  }
0x15f: {  	_ =	swait.ge [sflag:s9], $0x4000  }
0x160: {  	[sflag:s9] =	ssyncset.done $0x0  }
0x161: {  	s7 =	sadd.s32 $0x20, s8;
	[sflag:s9] =	ssyncadd.s32 $0xFFFFC000  }
0x162: {  	[tilespmem:s3], [sflag:$0x5] =	stream.linear.gather [hbm4b:s7+s3], $0x80, $0x38;
	[tilespmem:$0x12A00] =	vst v63  }
0x163: {  	_ =	swait.ge [sflag:s9], $0x80  }
0x164: {  	[sflag:s9] =	ssyncset.done $0x0  }
0x165: {  	[sflag:s9] =	ssyncadd.s32 $0xFFFFFF80  }
0x166: {  	[tilespmem:s12], [sflag:$0x1] =	stream.indirect.gather [hbm4b:s24+s10], $0x80, s3, s10, $0xb8;
	[tilespmem:$0x12A00] =	vst v63  }
0x167: {  	s7 =	sadd.s32 s6, s21;
	s6 =	smov.u32 s4  }
0x168: {  	[tilespmem:s30], [sflag:$0x5] =	stream.linear.gather [hbm4b:s7+s3], $0x80, $0x38;
	[tilespmem:$0x12A00] =	vst v63  }
0x169: {  	_ =	swait.ge [sflag:s9], $0x80  }
0x16a: {  	[sflag:s9] =	ssyncset.done $0x0  }
0x16b: {  	[sflag:s9] =	ssyncadd.s32 $0xFFFFFF80  }
0x16c: {  	_ =	swait.ge [sflag:s31], $0x4000  }
.Ltmp2:
0x16d: {  	[sflag:s31] =	ssyncset.done $0x0;
	(pc) =	sbr.rel @p0 .LBB2_6-.Ltmp2, $4  }
0x16e: {  	[sflag:s31] =	ssyncadd.s32 $0xFFFFC000  }
0x16f: {  	[spmem:s2] =	stream.indirect.scatter.add.f32 [tilespmem:s13], [sflag:$0x5], $0x80, s30, s10, $0xb8;
	[tilespmem:$0x12A00] =	vst v63  }
0x170: {  	_ =	swait.ge [sflag:s9], $0x4000  }
0x171: {  	s8 =	sadd.s32 s6, s16;
	s7 =	smov.u32 s11;
	[sflag:s9] =	ssyncset.done $0x0  }
0x172: {  	s4 =	sadd.s32 $0x10, s8;
	[sflag:s9] =	ssyncadd.s32 $0xFFFFC000  }
0x173: {  	[tilespmem:s10], [sflag:$0x5] =	stream.linear.gather [hbm4b:s4+s3], $0x80, $0x38;
	[tilespmem:$0x12A00] =	vst v63  }
0x174: {  	_ =	swait.ge [sflag:s9], $0x80  }
0x175: {  	[sflag:s9] =	ssyncset.done $0x0  }
0x176: {  	[sflag:s9] =	ssyncadd.s32 $0xFFFFFF80  }
0x177: {  	[tilespmem:s13], [sflag:$0x2] =	stream.indirect.gather [hbm4b:s24+s10], $0x80, s10, s10, $0xb8;
	[tilespmem:$0x12A00] =	vst v63  }
0x178: {  	s26 =	sadd.s32 s6, s20  }
0x179: {  	[tilespmem:s25], [sflag:$0x5] =	stream.linear.gather [hbm4b:s26+s3], $0x80, $0x38;
	[tilespmem:$0x12A00] =	vst v63  }
0x17a: {  	_ =	swait.ge [sflag:s9], $0x80  }
0x17b: {  	[sflag:s9] =	ssyncset.done $0x0  }
0x17c: {  	[sflag:s9] =	ssyncadd.s32 $0xFFFFFF80  }
0x17d: {  	_ =	swait.ge [sflag:s29], $0x4000  }
0x17e: {  	[sflag:s29] =	ssyncset.done $0x0  }
0x17f: {  	[sflag:s29] =	ssyncadd.s32 $0xFFFFC000  }
0x180: {  	[spmem:s2] =	stream.indirect.scatter.add.f32 [tilespmem:s12], [sflag:$0x5], $0x80, s25, s10, $0xb8;
	[tilespmem:$0x12A00] =	vst v63  }
0x181: {  	_ =	swait.ge [sflag:s9], $0x4000  }
0x182: {  	[sflag:s9] =	ssyncset.done $0x0  }
0x183: {  	s7 =	sadd.s32 $0x20, s8;
	[sflag:s9] =	ssyncadd.s32 $0xFFFFC000  }
0x184: {  	[tilespmem:s3], [sflag:$0x5] =	stream.linear.gather [hbm4b:s7+s3], $0x80, $0x38;
	[tilespmem:$0x12A00] =	vst v63  }
0x185: {  	_ =	swait.ge [sflag:s9], $0x80  }
0x186: {  	[sflag:s9] =	ssyncset.done $0x0  }
0x187: {  	[sflag:s9] =	ssyncadd.s32 $0xFFFFFF80  }
0x188: {  	[tilespmem:s12], [sflag:$0x1] =	stream.indirect.gather [hbm4b:s24+s10], $0x80, s3, s10, $0xb8;
	[tilespmem:$0x12A00] =	vst v63  }
0x189: {  	s8 =	sadd.s32 s6, s21  }
0x18a: {  	[tilespmem:s30], [sflag:$0x5] =	stream.linear.gather [hbm4b:s8+s3], $0x80, $0x38;
	[tilespmem:$0x12A00] =	vst v63  }
0x18b: {  	_ =	swait.ge [sflag:s9], $0x80  }
0x18c: {  	[sflag:s9] =	ssyncset.done $0x0  }
0x18d: {  	[sflag:s9] =	ssyncadd.s32 $0xFFFFFF80  }
0x18e: {  	_ =	swait.ge [sflag:s31], $0x4000  }
0x18f: {  	[sflag:s31] =	ssyncset.done $0x0  }
0x190: {  	[sflag:s31] =	ssyncadd.s32 $0xFFFFC000  }
0x191: {  	[spmem:s2] =	stream.indirect.scatter.add.f32 [tilespmem:s13], [sflag:$0x5], $0x80, s30, s10, $0xb8;
	[tilespmem:$0x12A00] =	vst v63  }
0x192: {  	_ =	swait.ge [sflag:s9], $0x4000  }
0x193: {  	[sflag:s9] =	ssyncset.done $0x0  }
0x194: {  	s4 =	simm.s32 $0x0;
	s11 =	rddreg [dreg:$0xc];
	[sflag:s9] =	ssyncadd.s32 $0xFFFFC000  }
0x195: {  	[tilespmem:s10], [sflag:$0x5] =	stream.linear.gather [hbm4b:s11+s4], $0x80, $0x38;
	[tilespmem:$0x12A00] =	vst v63  }
0x196: {  	_ =	swait.ge [sflag:s9], $0x80  }
0x197: {  	[sflag:s9] =	ssyncset.done $0x0  }
0x198: {  	[sflag:s9] =	ssyncadd.s32 $0xFFFFFF80  }
0x199: {  	[tilespmem:s13], [sflag:$0x2] =	stream.indirect.gather [hbm4b:s24+s10], $0x80, s10, s10, $0xb8;
	[tilespmem:$0x12A00] =	vst v63  }
0x19a: {  	s26 =	rddreg [dreg:$0xd]  }
0x19b: {  	[tilespmem:s25], [sflag:$0x5] =	stream.linear.gather [hbm4b:s26+s4], $0x80, $0x38;
	[tilespmem:$0x12A00] =	vst v63  }
0x19c: {  	_ =	swait.ge [sflag:s9], $0x80  }
0x19d: {  	[sflag:s9] =	ssyncset.done $0x0  }
0x19e: {  	[sflag:s9] =	ssyncadd.s32 $0xFFFFFF80  }
0x19f: {  	_ =	swait.ge [sflag:s29], $0x4000  }
0x1a0: {  	[sflag:s29] =	ssyncset.done $0x0  }
0x1a1: {  	[sflag:s29] =	ssyncadd.s32 $0xFFFFC000  }
0x1a2: {  	[spmem:s2] =	stream.indirect.scatter.add.f32 [tilespmem:s12], [sflag:$0x5], $0x80, s25, s10, $0xb8;
	[tilespmem:$0x12A00] =	vst v63  }
0x1a3: {  	_ =	swait.ge [sflag:s9], $0x4000  }
0x1a4: {  	[sflag:s9] =	ssyncset.done $0x0  }
0x1a5: {  	s7 =	rddreg [dreg:$0x6];
	[sflag:s9] =	ssyncadd.s32 $0xFFFFC000  }
0x1a6: {  	[tilespmem:s4], [sflag:$0x5] =	stream.linear.gather [hbm4b:s7+s4], $0x80, $0x38;
	[tilespmem:$0x12A00] =	vst v63  }
0x1a7: {  	_ =	swait.ge [sflag:s9], $0x80  }
0x1a8: {  	[sflag:s9] =	ssyncset.done $0x0  }
0x1a9: {  	[sflag:s9] =	ssyncadd.s32 $0xFFFFFF80  }
0x1aa: {  	[tilespmem:s12], [sflag:$0x1] =	stream.indirect.gather [hbm4b:s24+s10], $0x80, s4, s10, $0xb8;
	[tilespmem:$0x12A00] =	vst v63  }
0x1ab: {  	s8 =	rddreg [dreg:$0x8]  }
0x1ac: {  	[tilespmem:s30], [sflag:$0x5] =	stream.linear.gather [hbm4b:s8+s4], $0x80, $0x38;
	[tilespmem:$0x12A00] =	vst v63  }
0x1ad: {  	_ =	swait.ge [sflag:s9], $0x80  }
0x1ae: {  	[sflag:s9] =	ssyncset.done $0x0  }
0x1af: {  	[sflag:s9] =	ssyncadd.s32 $0xFFFFFF80  }
0x1b0: {  	_ =	swait.ge [sflag:s31], $0x4000  }
0x1b1: {  	[sflag:s31] =	ssyncset.done $0x0  }
0x1b2: {  	[sflag:s31] =	ssyncadd.s32 $0xFFFFC000  }
0x1b3: {  	[spmem:s2] =	stream.indirect.scatter.add.f32 [tilespmem:s13], [sflag:$0x5], $0x80, s30, s10, $0xb8;
	[tilespmem:$0x12A00] =	vst v63  }
0x1b4: {  	_ =	swait.ge [sflag:s9], $0x4000  }
0x1b5: {  	[sflag:s9] =	ssyncset.done $0x0  }
0x1b6: {  	[sflag:s9] =	ssyncadd.s32 $0xFFFFC000  }
0x1b7: {  	_ =	swait.ge [sflag:s29], $0x4000  }
0x1b8: {  	[sflag:s29] =	ssyncset.done $0x0  }
0x1b9: {  	[sflag:s29] =	ssyncadd.s32 $0xFFFFC000  }
0x1ba: {  	[bflag:$0x0] =	sbarrier.arrive $0xFFFF  }
0x1bb: {  	s11 =	rddreg [dreg:$0x13]  }
0x1bc: {  	[hbm:s11], [sflag:s28] =	dma.local [spmem:s5], $0x1400  }
0x1bd: {  	_ =	swait.ge [sflag:s9], $0x1400  }
0x1be: {  	[sflag:s9] =	ssyncset.done $0x0  }
0x1bf: {  	[sflag:s9] =	ssyncadd.s32 $0xFFFFEC00  }
0x1c0: {  	[bflag:$0x0] =	sbarrier.arrive $0xFFFF  }
0x1c1: {  	s26 =	rddreg [dreg:$0xf]  }
0x1c2: {  	s7 =	rddreg [dreg:$0x16]  }
0x1c3: {  	[spmem:s7], [sflag:s28] =	dma.local [hbm:s26], $0x1500  }
0x1c4: {  	_ =	swait.ge [sflag:s9], $0x1500  }
0x1c5: {  	[sflag:s9] =	ssyncset.done $0x0  }
0x1c6: {  	[sflag:s9] =	ssyncadd.s32 $0xFFFFEB00  }
0x1c7: {  	[bflag:$0x0] =	sbarrier.arrive $0xFFFF  }
0x1c8: {  	s7 =	rddreg [dreg:$0x1]  }
0x1c9: {  	[tilespmem:s12], [sflag:$0x5] =	stream.linear.gather [hbm4b:s7+s4], $0x4000, $0x38;
	[tilespmem:$0x12A00] =	vst v63  }
0x1ca: {  	_ =	swait.ge [sflag:s9], $0x4000  }
0x1cb: {  	[sflag:s9] =	ssyncset.done $0x0  }
0x1cc: {  	s26 =	rddreg [dreg:$0x7];
	[sflag:s9] =	ssyncadd.s32 $0xFFFFC000  }
0x1cd: {  	[tilespmem:s25], [sflag:$0x3] =	stream.linear.gather [hbm4b:s26+s4], $0x80, $0x38;
	[tilespmem:$0x12A00] =	vst v63  }
0x1ce: {  	s8 =	sadd.s32 $0x0, s21  }
0x1cf: {  	[tilespmem:s30], [sflag:$0x4] =	stream.linear.gather [hbm4b:s8+s3], $0x80, $0x38;
	[tilespmem:$0x12A00] =	vst v63  }
0x1d0: {  	_ =	swait.ge [sflag:s17], $0x80  }
0x1d1: {  	[sflag:s17] =	ssyncset.done $0x0  }
0x1d2: {  	[sflag:s17] =	ssyncadd.s32 $0xFFFFFF80  }
0x1d3: {  	[spmem:s2] =	stream.indirect.scatter.add.f32 [tilespmem:s12], [sflag:$0x5], $0x80, s25, s10, $0xb8;
	[tilespmem:$0x12A00] =	vst v63  }
0x1d4: {  	_ =	swait.ge [sflag:s9], $0x4000  }
0x1d5: {  	[sflag:s9] =	ssyncset.done $0x0  }
0x1d6: {  	s11 =	sadd.s32 $0x0, s22;
	[sflag:s9] =	ssyncadd.s32 $0xFFFFC000  }
0x1d7: {  	[tilespmem:s25], [sflag:$0x3] =	stream.linear.gather [hbm4b:s11+s3], $0x80, $0x38;
	[tilespmem:$0x12A00] =	vst v63  }
0x1d8: {  	_ =	swait.ge [sflag:s1], $0x80  }
0x1d9: {  	[sflag:s1] =	ssyncset.done $0x0  }
0x1da: {  	[sflag:s1] =	ssyncadd.s32 $0xFFFFFF80  }
0x1db: {  	[spmem:s2] =	stream.indirect.scatter.add.f32 [tilespmem:s12], [sflag:$0x5], $0x80, s30, s10, $0xb8;
	[tilespmem:$0x12A00] =	vst v63  }
0x1dc: {  	_ =	swait.ge [sflag:s9], $0x4000  }
0x1dd: {  	s6 =	simm.s32 $0x20;
	s7 =	simm.s32 $0x40;
	[sflag:s9] =	ssyncset.done $0x0  }
.LBB2_8:
0x1de: {  	s4 =	sadd.s32 s6, s21  }
0x1df: {  	[sflag:s9] =	ssyncadd.s32 $0xFFFFC000;
	s8 =	smov.u32 s7;
	s11 =	sadd.s32 $0x20, s7  }
0x1e0: {  	[tilespmem:s30], [sflag:$0x4] =	stream.linear.gather [hbm4b:s4+s3], $0x80, $0x38;
	[tilespmem:$0x12A00] =	vst v63  }
0x1e1: {  	p0 =	sne.s32 s7, $0x9C0;
	_ =	swait.ge [sflag:s17], $0x80  }
0x1e2: {  	[sflag:s17] =	ssyncset.done $0x0  }
0x1e3: {  	[sflag:s17] =	ssyncadd.s32 $0xFFFFFF80  }
0x1e4: {  	[spmem:s2] =	stream.indirect.scatter.add.f32 [tilespmem:s12], [sflag:$0x5], $0x80, s25, s10, $0xb8;
	[tilespmem:$0x12A00] =	vst v63  }
0x1e5: {  	_ =	swait.ge [sflag:s9], $0x4000  }
0x1e6: {  	[sflag:s9] =	ssyncset.done $0x0  }
0x1e7: {  	s4 =	sadd.s32 s6, s22;
	s6 =	smov.u32 s8;
	[sflag:s9] =	ssyncadd.s32 $0xFFFFC000  }
0x1e8: {  	[tilespmem:s25], [sflag:$0x3] =	stream.linear.gather [hbm4b:s4+s3], $0x80, $0x38;
	[tilespmem:$0x12A00] =	vst v63  }
0x1e9: {  	_ =	swait.ge [sflag:s1], $0x80  }
.Ltmp3:
0x1ea: {  	[sflag:s1] =	ssyncset.done $0x0;
	(pc) =	sbr.rel @p0 .LBB2_8-.Ltmp3, $4  }
0x1eb: {  	[sflag:s1] =	ssyncadd.s32 $0xFFFFFF80  }
0x1ec: {  	[spmem:s2] =	stream.indirect.scatter.add.f32 [tilespmem:s12], [sflag:$0x5], $0x80, s30, s10, $0xb8;
	[tilespmem:$0x12A00] =	vst v63  }
0x1ed: {  	_ =	swait.ge [sflag:s9], $0x4000  }
0x1ee: {  	s7 =	smov.u32 s11;
	[sflag:s9] =	ssyncset.done $0x0  }
0x1ef: {  	s4 =	sadd.s32 s6, s21;
	[sflag:s9] =	ssyncadd.s32 $0xFFFFC000  }
0x1f0: {  	[tilespmem:s30], [sflag:$0x4] =	stream.linear.gather [hbm4b:s4+s3], $0x80, $0x38;
	[tilespmem:$0x12A00] =	vst v63  }
0x1f1: {  	_ =	swait.ge [sflag:s17], $0x80  }
0x1f2: {  	[sflag:s17] =	ssyncset.done $0x0  }
0x1f3: {  	[sflag:s17] =	ssyncadd.s32 $0xFFFFFF80  }
0x1f4: {  	[spmem:s2] =	stream.indirect.scatter.add.f32 [tilespmem:s12], [sflag:$0x5], $0x80, s25, s10, $0xb8;
	[tilespmem:$0x12A00] =	vst v63  }
0x1f5: {  	_ =	swait.ge [sflag:s9], $0x4000  }
0x1f6: {  	[sflag:s9] =	ssyncset.done $0x0  }
0x1f7: {  	s6 =	sadd.s32 s6, s22;
	[sflag:s9] =	ssyncadd.s32 $0xFFFFC000  }
0x1f8: {  	[tilespmem:s25], [sflag:$0x3] =	stream.linear.gather [hbm4b:s6+s3], $0x80, $0x38;
	[tilespmem:$0x12A00] =	vst v63  }
0x1f9: {  	_ =	swait.ge [sflag:s1], $0x80  }
0x1fa: {  	[sflag:s1] =	ssyncset.done $0x0  }
0x1fb: {  	[sflag:s1] =	ssyncadd.s32 $0xFFFFFF80  }
0x1fc: {  	[spmem:s2] =	stream.indirect.scatter.add.f32 [tilespmem:s12], [sflag:$0x5], $0x80, s30, s10, $0xb8;
	[tilespmem:$0x12A00] =	vst v63  }
0x1fd: {  	_ =	swait.ge [sflag:s9], $0x4000  }
0x1fe: {  	[sflag:s9] =	ssyncset.done $0x0  }
0x1ff: {  	s7 =	rddreg [dreg:$0x8];
	[sflag:s9] =	ssyncadd.s32 $0xFFFFC000  }
0x200: {  	[tilespmem:s30], [sflag:$0x4] =	stream.linear.gather [hbm4b:s7+s3], $0x80, $0x38;
	[tilespmem:$0x12A00] =	vst v63  }
0x201: {  	_ =	swait.ge [sflag:s17], $0x80  }
0x202: {  	[sflag:s17] =	ssyncset.done $0x0  }
0x203: {  	[sflag:s17] =	ssyncadd.s32 $0xFFFFFF80  }
0x204: {  	[spmem:s2] =	stream.indirect.scatter.add.f32 [tilespmem:s12], [sflag:$0x5], $0x80, s25, s10, $0xb8;
	[tilespmem:$0x12A00] =	vst v63  }
0x205: {  	_ =	swait.ge [sflag:s9], $0x4000  }
0x206: {  	[sflag:s9] =	ssyncset.done $0x0  }
0x207: {  	[sflag:s9] =	ssyncadd.s32 $0xFFFFC000  }
0x208: {  	[tilespmem:s25], [sflag:$0x3] =	stream.linear.gather [hbm4b:s26+s3], $0x80, $0x38;
	[tilespmem:$0x12A00] =	vst v63  }
0x209: {  	_ =	swait.ge [sflag:s1], $0x80  }
0x20a: {  	[sflag:s1] =	ssyncset.done $0x0  }
0x20b: {  	[sflag:s1] =	ssyncadd.s32 $0xFFFFFF80  }
0x20c: {  	[spmem:s2] =	stream.indirect.scatter.add.f32 [tilespmem:s12], [sflag:$0x5], $0x80, s30, s10, $0xb8;
	[tilespmem:$0x12A00] =	vst v63  }
0x20d: {  	_ =	swait.ge [sflag:s9], $0x4000  }
0x20e: {  	[sflag:s9] =	ssyncset.done $0x0  }
0x20f: {  	[sflag:s9] =	ssyncadd.s32 $0xFFFFC000  }
0x210: {  	_ =	swait.ge [sflag:s17], $0x80  }
0x211: {  	[sflag:s17] =	ssyncset.done $0x0  }
0x212: {  	[sflag:s17] =	ssyncadd.s32 $0xFFFFFF80  }
0x213: {  	[bflag:$0x0] =	sbarrier.arrive $0xFFFF  }
0x214: {  	s8 =	rddreg [dreg:$0x14]  }
0x215: {  	[hbm:s8], [sflag:s28] =	dma.local [spmem:s5], $0x1400  }
0x216: {  	_ =	swait.ge [sflag:s9], $0x1400  }
0x217: {  	[sflag:s9] =	ssyncset.done $0x0  }
0x218: {  	[sflag:s9] =	ssyncadd.s32 $0xFFFFEC00  }
0x219: {  	[bflag:$0x0] =	sbarrier.arrive $0xFFFF  }
0x21a: {  	s6 =	rddreg [dreg:$0xf]  }
0x21b: {  	s11 =	rddreg [dreg:$0x16]  }
0x21c: {  	[spmem:s11], [sflag:s28] =	dma.local [hbm:s6], $0x1500  }
0x21d: {  	_ =	swait.ge [sflag:s9], $0x1500  }
0x21e: {  	s0 =	sadd.s32 $0x1, s0;
	s26 =	rddreg [dreg:$0x15]  }
0x21f: {  	p0 =	sne.s32 s0, s26  }
.Ltmp4:
0x220: {  	_ = 	snop;
	(pc) =	sbr.rel @p0 .LBB2_1-.Ltmp4, $3  }
0x221: {  	[sflag:s9] =	ssyncset.done $0x0  }
0x222: {  	[sflag:s9] =	ssyncadd.s32 $0xFFFFEB00  }
0x223: {  	[bflag:$0x0] =	sbarrier.arrive $0xFFFF;
	_ =	sdelay $0x1  }
0x224: {  	_ =	sfence.sel $0x180000  }
0x225: {  	[bflag:$0x0] =	sbarrier.arrive $0xFFFF  }
0x226: {  	_ =	strace $0x90000047  }
0x227: {  	s0 =	stileid.u32;
	[bflag:$0x2] =	sbarrier.arrive $0xFFFF  }
0x228: {  	p0 =	sne.s32 s0, $0x0;
	s0 =	rddreg [dreg:$0x3]  }
0x229: {  	s0 =	sadd.s32 @!p0 $0x100000, s0  }
0x22a: {  	[sflag:s0] =	ssyncadd.tile.s32 @!p0 $0x1;
	_ =	shalt  }
.Lfunc_end2:
_tile_overlayer_lowered:
.L_overlay_start_2:
0x22b: {  	(tag) =	ssettag $0x2  }
0x22c: {  	s0 =	rddreg [dreg:$0x0];
	s2 =	stileid.u32  }
0x22d: {  	s1 =	rddreg [dreg:$0x1];
	p0 =	sne.s32 s2, $0x0  }
0x22e: {  	s3 =	rddreg [dreg:$0x2];
	[bflag:$0x3] =	sbarrier.arrive $0xFFFF;
	s2 =	simm.s32 @!p0 $0x1C05  }
0x22f: {  	[timem:s3], [sflag:s2] =	dma.local @!p0 [hbm:s0], s1  }
0x230: {  	s0 =	simm.s32 @!p0 $0x5  }
0x231: {  	_ =	swait.ge @!p0 [sflag:s0], s1  }
0x232: {  	s1 =	ssub.s32 @!p0 $0x0, s1;
	[sflag:s0] =	ssyncset.done @!p0 $0x0  }
0x233: {  	[sflag:s0] =	ssyncadd.s32 @!p0 s1  }
0x234: {  	[bflag:$0x3] =	sbarrier.arrive $0xFFFF  }
0x235: {  	_ =	shalt  }

</sc_bundles>
